<compile_context>
chip_gen: v7x
topology: tpu7x:2x2x1
jax: 0.10.2.dev20260603
libtpu: 0.0.44.dev20260713+nightly
codegen_flags: <defaults>
</compile_context>

<pallas_src>
import functools

import jax
import jax.numpy as jnp
from jax import lax
from jax.experimental import pallas as pl
from jax.experimental.pallas import tpu as pltpu
from jax.experimental.pallas import tpu_sc as plsc

N_TILE = 2048
K_TILE = 2048
LANES = 16


def _residual_kernel(a_ref, x_ref, y_ref, r_ref):
    k = pl.program_id(0)
    part = jax.lax.dot(a_ref[...], x_ref[...])

    @pl.when(k == 0)
    def _():
        r_ref[...] = y_ref[...].T - part

    @pl.when(k != 0)
    def _():
        r_ref[...] = r_ref[...] - part


def _corr_kernel(a_ref, ry_ref, val_ref, idx_ref, g_ref, d_ref):
    n = pl.program_id(0)
    a = a_ref[...]
    cg = jax.lax.dot_general(a, ry_ref[...], (((0,), (0,)), ((), ())))
    b = cg.shape[1] // 2
    corr = jnp.abs(cg[:, :b])
    gmat = cg[:, b:]

    m = jnp.max(corr, axis=0, keepdims=True)
    rows = jax.lax.broadcasted_iota(jnp.int32, corr.shape, 0)
    big = jnp.int32(corr.shape[0])
    loc = jnp.min(
        jnp.where(corr == m, rows, big), axis=0, keepdims=True
    )
    sel = rows == loc
    gsel = jnp.sum(jnp.where(sel, gmat, 0.0), axis=0, keepdims=True)
    dcol = jnp.sum(a * a, axis=0, keepdims=True)
    dsel = jnp.sum(jnp.where(sel, dcol.T, 0.0), axis=0, keepdims=True)

    val_ref[...] = m[None]
    idx_ref[...] = (loc + n * a.shape[1])[None]
    g_ref[...] = gsel[None]
    d_ref[...] = dsel[None]


def _mask_kernel(val_ref, idx_ref, s_ref, so_ref):
    n = pl.program_id(0)
    v = val_ref[:, 0, :]
    m = jnp.max(v, axis=0, keepdims=True)
    tiles = jax.lax.broadcasted_iota(jnp.int32, v.shape, 0)
    big = jnp.int32(v.shape[0])
    wt = jnp.min(jnp.where(v == m, tiles, big), axis=0, keepdims=True)
    sel = tiles == wt
    j = jnp.sum(jnp.where(sel, idx_ref[:, 0, :], 0), axis=0, keepdims=True)
    rows = jax.lax.broadcasted_iota(jnp.int32, so_ref.shape, 0) + n * so_ref.shape[0]
    so_ref[...] = (rows == j) | s_ref[...]


def _sc_scatter_body(
    n_tiles, n_rows, batch, n_workers,
    vals_h, idxs_h, gs_h, ds_h, h_out,
    vals_v, idxs_v, gs_v, ds_v, hbuf,
):
    num_cores = 2
    wid = lax.axis_index("s") * num_cores + lax.axis_index("c")
    rows = n_rows // n_workers
    base = wid * rows

    pltpu.sync_copy(vals_h, vals_v)
    pltpu.sync_copy(idxs_h, idxs_v)
    pltpu.sync_copy(gs_h, gs_v)
    pltpu.sync_copy(ds_h, ds_v)

    merged = []
    for g in range(batch // LANES):
        m = vals_v[pl.ds(g * LANES, LANES)]
        j = idxs_v[pl.ds(g * LANES, LANES)]
        gg = gs_v[pl.ds(g * LANES, LANES)]
        dd = ds_v[pl.ds(g * LANES, LANES)]
        for t in range(1, n_tiles):
            off = t * batch + g * LANES
            v = vals_v[pl.ds(off, LANES)]
            gt = v > m
            m = jnp.where(gt, v, m)
            j = jnp.where(gt, idxs_v[pl.ds(off, LANES)], j)
            gg = jnp.where(gt, gs_v[pl.ds(off, LANES)], gg)
            dd = jnp.where(gt, ds_v[pl.ds(off, LANES)], dd)
        x = gg / dd
        merged.append(j)
        merged.append(x)

    unroll = 4

    def _fill_body(i, carry):
        for u in range(unroll):
            r = i * unroll + u
            rv = base + r
            for g in range(batch // LANES):
                j_g = carry[2 * g]
                x_g = carry[2 * g + 1]
                hbuf[
                    pl.ds(pl.multiple_of(r * batch + g * LANES, LANES), LANES)
                ] = jnp.where(j_g == rv, x_g, 0.0)
        return carry

    lax.fori_loop(0, rows // unroll, _fill_body, tuple(merged))

    pltpu.sync_copy(hbuf, h_out.at[pl.ds(base * batch, rows * batch)])


def kernel(X, Y, S, A):
    M, N = A.shape
    B = X.shape[1]
    n_k = N // K_TILE
    n_n = N // N_TILE

    R = pl.pallas_call(
        _residual_kernel,
        grid=(n_k,),
        in_specs=[
            pl.BlockSpec((M, K_TILE), lambda k: (0, k)),
            pl.BlockSpec((K_TILE, B), lambda k: (k, 0)),
            pl.BlockSpec((B, M), lambda k: (0, 0)),
        ],
        out_specs=pl.BlockSpec((M, B), lambda k: (0, 0)),
        out_shape=jax.ShapeDtypeStruct((M, B), A.dtype),
    )(A, X, Y)

    RY = jnp.concatenate([R, Y.T], axis=1)

    stat_shape = jax.ShapeDtypeStruct((n_n, 1, B), jnp.float32)
    stat_spec = pl.BlockSpec((1, 1, B), lambda n: (n, 0, 0))
    vals, idxs, gs, ds = pl.pallas_call(
        _corr_kernel,
        grid=(n_n,),
        in_specs=[
            pl.BlockSpec((M, N_TILE), lambda n: (0, n)),
            pl.BlockSpec((M, 2 * B), lambda n: (0, 0)),
        ],
        out_specs=[stat_spec, stat_spec, stat_spec, stat_spec],
        out_shape=[
            stat_shape,
            jax.ShapeDtypeStruct((n_n, 1, B), jnp.int32),
            stat_shape,
            stat_shape,
        ],
    )(A, RY)

    n_workers = 32
    sc_scatter = pl.kernel(
        functools.partial(_sc_scatter_body, n_n, N, B, n_workers),
        out_type=jax.ShapeDtypeStruct((N * B,), jnp.float32),
        mesh=plsc.VectorSubcoreMesh(core_axis_name="c", subcore_axis_name="s"),
        scratch_types=[
            pltpu.VMEM((n_n * B,), jnp.float32),
            pltpu.VMEM((n_n * B,), jnp.int32),
            pltpu.VMEM((n_n * B,), jnp.float32),
            pltpu.VMEM((n_n * B,), jnp.float32),
            pltpu.VMEM((N // n_workers * B,), jnp.float32),
        ],
    )

    H_flat = sc_scatter(
        jnp.reshape(vals, (n_n * B,)),
        jnp.reshape(idxs, (n_n * B,)),
        jnp.reshape(gs, (n_n * B,)),
        jnp.reshape(ds, (n_n * B,)),
    )
    H = jnp.reshape(H_flat, (N, B))

    full_spec = pl.BlockSpec((n_n, 1, B), lambda n: (0, 0, 0))
    S_out = pl.pallas_call(
        _mask_kernel,
        grid=(n_n,),
        in_specs=[
            full_spec,
            full_spec,
            pl.BlockSpec((N_TILE, B), lambda n: (n, 0)),
        ],
        out_specs=pl.BlockSpec((N_TILE, B), lambda n: (n, 0)),
        out_shape=jax.ShapeDtypeStruct((N, B), jnp.bool_),
    )(vals, idxs, S)

    return (H, S_out)

# --- scband reference (transcript-rebuilt; emitter-appended) ---
"""Pipeline reference for scband-omp-layer-23270132810495 (READ-ONLY COPY).

The authoritative reference and input builder live on the scoring server;
editing this copy changes nothing except your own understanding.
"""

import jax, jax.numpy as jnp
import numpy as np

N_DICT = 16384
M_MEAS = 1024
BATCH = 64


def setup_inputs(seed: int = 0) -> dict:
    key = jax.random.key(seed)
    k1, k2, k3 = jax.random.split(key, 3)
    A = jax.random.normal(k1, (M_MEAS, N_DICT), dtype=jnp.float32) / np.sqrt(M_MEAS)
    X = jax.random.normal(k2, (N_DICT, BATCH), dtype=jnp.float32)
    Y = jax.random.normal(k3, (BATCH, M_MEAS), dtype=jnp.float32)
    S = jnp.zeros((N_DICT, BATCH), dtype=bool)
    return {"X": X, "Y": Y, "S": S, "A": A}


def reference(X, Y, S, A):
    # Faithful translation of OMP_layer.forward: one greedy OMP step per batch column.
    N, B = X.shape
    H = jnp.zeros((N, B), dtype=A.dtype)
    S_out = S
    for i in range(B):
        r = Y[i, :] - A @ X[:, i]                       # residual, shape [m]
        corr = jnp.abs(A.conj().T @ r)                  # correlation with dictionary, shape [N]
        j = jnp.argmax(corr)                            # best atom index
        S_out = S_out.at[j, i].set(True)
        A_S = jax.lax.dynamic_slice_in_dim(A, j, 1, axis=1)  # [m, |S|] with |S| = 1
        x_S, _, _, _ = jnp.linalg.lstsq(A_S, Y[i, :])   # least-squares on support
        H = H.at[j, i].set(x_S[0])                      # scatter solution into H
    return (H, S_out)

if __name__ == "__main__":
    import jax
    _d = setup_inputs()
    print(jax.jit(kernel)(*tuple(_d.values())))

</pallas_src>

<mosaic_0001>
#map = affine_map<(d0, d1) -> (0)>
module attributes {stable_mosaic.version = 14 : i64} {
  func.func @_sc_scatter_body(%arg0: i32, %arg1: i32, %arg2: memref<512xf32, #tpu.memory_space<hbm>>, %arg3: memref<512xi32, #tpu.memory_space<hbm>>, %arg4: memref<512xf32, #tpu.memory_space<hbm>>, %arg5: memref<512xf32, #tpu.memory_space<hbm>>, %arg6: memref<1048576xf32, #tpu.memory_space<hbm>>, %arg7: memref<512xf32, #tpu.memory_space<vmem>>, %arg8: memref<512xi32, #tpu.memory_space<vmem>>, %arg9: memref<512xf32, #tpu.memory_space<vmem>>, %arg10: memref<512xf32, #tpu.memory_space<vmem>>, %arg11: memref<32768xf32, #tpu.memory_space<vmem>>) attributes {dimension_semantics = [#tpu.dimension_semantics<core_parallel>, #tpu.dimension_semantics<subcore_parallel>], iteration_bounds = array<i64: 2, 16>, scalar_prefetch = 0 : i64, scratch_operands = 5 : i64, tpu.core_type = #tpu.core_type<sc_vector_subcore>, window_params = [{transform_indices = #map}, {transform_indices = #map}, {transform_indices = #map}, {transform_indices = #map}, {transform_indices = #map}]} {
    %mul3A = arith.constant 2 : i32
    %mul3A_0 = arith.muli %arg1, %mul3A : i32
    %add3A = arith.addi %mul3A_0, %arg0 : i32
    %mul3A_1 = arith.constant 512 : i32
    %mul3A_2 = arith.muli %add3A, %mul3A_1 : i32
    "tpu.region"() ({
      %run_scoped3A = tpu.sem_alloc : memref<!tpu.dma_semaphore, #tpu.memory_space<semaphore_mem>>
      tpu.enqueue_dma source(%arg2 : memref<512xf32, #tpu.memory_space<hbm>>) target(%arg7 : memref<512xf32, #tpu.memory_space<vmem>>) target_semaphore(%run_scoped3A : memref<!tpu.dma_semaphore, #tpu.memory_space<semaphore_mem>>)
      tpu.wait_dma2 semaphore(%run_scoped3A : memref<!tpu.dma_semaphore, #tpu.memory_space<semaphore_mem>>) src(%arg2 : memref<512xf32, #tpu.memory_space<hbm>>) dst(%arg7 : memref<512xf32, #tpu.memory_space<vmem>>)
      tpu.yield
    }) : () -> ()
    "tpu.region"() ({
      %run_scoped3A = tpu.sem_alloc : memref<!tpu.dma_semaphore, #tpu.memory_space<semaphore_mem>>
      tpu.enqueue_dma source(%arg3 : memref<512xi32, #tpu.memory_space<hbm>>) target(%arg8 : memref<512xi32, #tpu.memory_space<vmem>>) target_semaphore(%run_scoped3A : memref<!tpu.dma_semaphore, #tpu.memory_space<semaphore_mem>>)
      tpu.wait_dma2 semaphore(%run_scoped3A : memref<!tpu.dma_semaphore, #tpu.memory_space<semaphore_mem>>) src(%arg3 : memref<512xi32, #tpu.memory_space<hbm>>) dst(%arg8 : memref<512xi32, #tpu.memory_space<vmem>>)
      tpu.yield
    }) : () -> ()
    "tpu.region"() ({
      %run_scoped3A = tpu.sem_alloc : memref<!tpu.dma_semaphore, #tpu.memory_space<semaphore_mem>>
      tpu.enqueue_dma source(%arg4 : memref<512xf32, #tpu.memory_space<hbm>>) target(%arg9 : memref<512xf32, #tpu.memory_space<vmem>>) target_semaphore(%run_scoped3A : memref<!tpu.dma_semaphore, #tpu.memory_space<semaphore_mem>>)
      tpu.wait_dma2 semaphore(%run_scoped3A : memref<!tpu.dma_semaphore, #tpu.memory_space<semaphore_mem>>) src(%arg4 : memref<512xf32, #tpu.memory_space<hbm>>) dst(%arg9 : memref<512xf32, #tpu.memory_space<vmem>>)
      tpu.yield
    }) : () -> ()
    "tpu.region"() ({
      %run_scoped3A = tpu.sem_alloc : memref<!tpu.dma_semaphore, #tpu.memory_space<semaphore_mem>>
      tpu.enqueue_dma source(%arg5 : memref<512xf32, #tpu.memory_space<hbm>>) target(%arg10 : memref<512xf32, #tpu.memory_space<vmem>>) target_semaphore(%run_scoped3A : memref<!tpu.dma_semaphore, #tpu.memory_space<semaphore_mem>>)
      tpu.wait_dma2 semaphore(%run_scoped3A : memref<!tpu.dma_semaphore, #tpu.memory_space<semaphore_mem>>) src(%arg5 : memref<512xf32, #tpu.memory_space<hbm>>) dst(%arg10 : memref<512xf32, #tpu.memory_space<vmem>>)
      tpu.yield
    }) : () -> ()
    %get3A = arith.constant 0 : index
    %get3A_3 = tpu.vector_load %arg7[%get3A] {strides = array<i32>} : memref<512xf32, #tpu.memory_space<vmem>>, vector<16xf32>,
    %get3A_4 = vector.shape_cast %get3A_3 : vector<16xf32> to vector<16xf32>
    %get3A_5 = arith.constant 0 : index
    %get3A_6 = tpu.vector_load %arg8[%get3A_5] {strides = array<i32>} : memref<512xi32, #tpu.memory_space<vmem>>, vector<16xi32>,
    %get3A_7 = vector.shape_cast %get3A_6 : vector<16xi32> to vector<16xi32>
    %get3A_8 = arith.constant 0 : index
    %get3A_9 = tpu.vector_load %arg9[%get3A_8] {strides = array<i32>} : memref<512xf32, #tpu.memory_space<vmem>>, vector<16xf32>,
    %get3A_10 = vector.shape_cast %get3A_9 : vector<16xf32> to vector<16xf32>
    %get3A_11 = arith.constant 0 : index
    %get3A_12 = tpu.vector_load %arg10[%get3A_11] {strides = array<i32>} : memref<512xf32, #tpu.memory_space<vmem>>, vector<16xf32>,
    %get3A_13 = vector.shape_cast %get3A_12 : vector<16xf32> to vector<16xf32>
    %get3A_14 = arith.constant 64 : index
    %get3A_15 = tpu.vector_load %arg7[%get3A_14] {strides = array<i32>} : memref<512xf32, #tpu.memory_space<vmem>>, vector<16xf32>,
    %get3A_16 = vector.shape_cast %get3A_15 : vector<16xf32> to vector<16xf32>
    %gt3A = arith.cmpf ogt, %get3A_16, %get3A_4 : vector<16xf32>
    %select_n3A = arith.select %gt3A, %get3A_16, %get3A_4 : vector<16xi1>, vector<16xf32>
    %get3A_17 = arith.constant 64 : index
    %get3A_18 = tpu.vector_load %arg8[%get3A_17] {strides = array<i32>} : memref<512xi32, #tpu.memory_space<vmem>>, vector<16xi32>,
    %get3A_19 = vector.shape_cast %get3A_18 : vector<16xi32> to vector<16xi32>
    %select_n3A_20 = arith.select %gt3A, %get3A_19, %get3A_7 : vector<16xi1>, vector<16xi32>
    %get3A_21 = arith.constant 64 : index
    %get3A_22 = tpu.vector_load %arg9[%get3A_21] {strides = array<i32>} : memref<512xf32, #tpu.memory_space<vmem>>, vector<16xf32>,
    %get3A_23 = vector.shape_cast %get3A_22 : vector<16xf32> to vector<16xf32>
    %select_n3A_24 = arith.select %gt3A, %get3A_23, %get3A_10 : vector<16xi1>, vector<16xf32>
    %get3A_25 = arith.constant 64 : index
    %get3A_26 = tpu.vector_load %arg10[%get3A_25] {strides = array<i32>} : memref<512xf32, #tpu.memory_space<vmem>>, vector<16xf32>,
    %get3A_27 = vector.shape_cast %get3A_26 : vector<16xf32> to vector<16xf32>
    %select_n3A_28 = arith.select %gt3A, %get3A_27, %get3A_13 : vector<16xi1>, vector<16xf32>
    %get3A_29 = arith.constant 128 : index
    %get3A_30 = tpu.vector_load %arg7[%get3A_29] {strides = array<i32>} : memref<512xf32, #tpu.memory_space<vmem>>, vector<16xf32>,
    %get3A_31 = vector.shape_cast %get3A_30 : vector<16xf32> to vector<16xf32>
    %gt3A_32 = arith.cmpf ogt, %get3A_31, %select_n3A : vector<16xf32>
    %select_n3A_33 = arith.select %gt3A_32, %get3A_31, %select_n3A : vector<16xi1>, vector<16xf32>
    %get3A_34 = arith.constant 128 : index
    %get3A_35 = tpu.vector_load %arg8[%get3A_34] {strides = array<i32>} : memref<512xi32, #tpu.memory_space<vmem>>, vector<16xi32>,
    %get3A_36 = vector.shape_cast %get3A_35 : vector<16xi32> to vector<16xi32>
    %select_n3A_37 = arith.select %gt3A_32, %get3A_36, %select_n3A_20 : vector<16xi1>, vector<16xi32>
    %get3A_38 = arith.constant 128 : index
    %get3A_39 = tpu.vector_load %arg9[%get3A_38] {strides = array<i32>} : memref<512xf32, #tpu.memory_space<vmem>>, vector<16xf32>,
    %get3A_40 = vector.shape_cast %get3A_39 : vector<16xf32> to vector<16xf32>
    %select_n3A_41 = arith.select %gt3A_32, %get3A_40, %select_n3A_24 : vector<16xi1>, vector<16xf32>
    %get3A_42 = arith.constant 128 : index
    %get3A_43 = tpu.vector_load %arg10[%get3A_42] {strides = array<i32>} : memref<512xf32, #tpu.memory_space<vmem>>, vector<16xf32>,
    %get3A_44 = vector.shape_cast %get3A_43 : vector<16xf32> to vector<16xf32>
    %select_n3A_45 = arith.select %gt3A_32, %get3A_44, %select_n3A_28 : vector<16xi1>, vector<16xf32>
    %get3A_46 = arith.constant 192 : index
    %get3A_47 = tpu.vector_load %arg7[%get3A_46] {strides = array<i32>} : memref<512xf32, #tpu.memory_space<vmem>>, vector<16xf32>,
    %get3A_48 = vector.shape_cast %get3A_47 : vector<16xf32> to vector<16xf32>
    %gt3A_49 = arith.cmpf ogt, %get3A_48, %select_n3A_33 : vector<16xf32>
    %select_n3A_50 = arith.select %gt3A_49, %get3A_48, %select_n3A_33 : vector<16xi1>, vector<16xf32>
    %get3A_51 = arith.constant 192 : index
    %get3A_52 = tpu.vector_load %arg8[%get3A_51] {strides = array<i32>} : memref<512xi32, #tpu.memory_space<vmem>>, vector<16xi32>,
    %get3A_53 = vector.shape_cast %get3A_52 : vector<16xi32> to vector<16xi32>
    %select_n3A_54 = arith.select %gt3A_49, %get3A_53, %select_n3A_37 : vector<16xi1>, vector<16xi32>
    %get3A_55 = arith.constant 192 : index
    %get3A_56 = tpu.vector_load %arg9[%get3A_55] {strides = array<i32>} : memref<512xf32, #tpu.memory_space<vmem>>, vector<16xf32>,
    %get3A_57 = vector.shape_cast %get3A_56 : vector<16xf32> to vector<16xf32>
    %select_n3A_58 = arith.select %gt3A_49, %get3A_57, %select_n3A_41 : vector<16xi1>, vector<16xf32>
    %get3A_59 = arith.constant 192 : index
    %get3A_60 = tpu.vector_load %arg10[%get3A_59] {strides = array<i32>} : memref<512xf32, #tpu.memory_space<vmem>>, vector<16xf32>,
    %get3A_61 = vector.shape_cast %get3A_60 : vector<16xf32> to vector<16xf32>
    %select_n3A_62 = arith.select %gt3A_49, %get3A_61, %select_n3A_45 : vector<16xi1>, vector<16xf32>
    %get3A_63 = arith.constant 256 : index
    %get3A_64 = tpu.vector_load %arg7[%get3A_63] {strides = array<i32>} : memref<512xf32, #tpu.memory_space<vmem>>, vector<16xf32>,
    %get3A_65 = vector.shape_cast %get3A_64 : vector<16xf32> to vector<16xf32>
    %gt3A_66 = arith.cmpf ogt, %get3A_65, %select_n3A_50 : vector<16xf32>
    %select_n3A_67 = arith.select %gt3A_66, %get3A_65, %select_n3A_50 : vector<16xi1>, vector<16xf32>
    %get3A_68 = arith.constant 256 : index
    %get3A_69 = tpu.vector_load %arg8[%get3A_68] {strides = array<i32>} : memref<512xi32, #tpu.memory_space<vmem>>, vector<16xi32>,
    %get3A_70 = vector.shape_cast %get3A_69 : vector<16xi32> to vector<16xi32>
    %select_n3A_71 = arith.select %gt3A_66, %get3A_70, %select_n3A_54 : vector<16xi1>, vector<16xi32>
    %get3A_72 = arith.constant 256 : index
    %get3A_73 = tpu.vector_load %arg9[%get3A_72] {strides = array<i32>} : memref<512xf32, #tpu.memory_space<vmem>>, vector<16xf32>,
    %get3A_74 = vector.shape_cast %get3A_73 : vector<16xf32> to vector<16xf32>
    %select_n3A_75 = arith.select %gt3A_66, %get3A_74, %select_n3A_58 : vector<16xi1>, vector<16xf32>
    %get3A_76 = arith.constant 256 : index
    %get3A_77 = tpu.vector_load %arg10[%get3A_76] {strides = array<i32>} : memref<512xf32, #tpu.memory_space<vmem>>, vector<16xf32>,
    %get3A_78 = vector.shape_cast %get3A_77 : vector<16xf32> to vector<16xf32>
    %select_n3A_79 = arith.select %gt3A_66, %get3A_78, %select_n3A_62 : vector<16xi1>, vector<16xf32>
    %get3A_80 = arith.constant 320 : index
    %get3A_81 = tpu.vector_load %arg7[%get3A_80] {strides = array<i32>} : memref<512xf32, #tpu.memory_space<vmem>>, vector<16xf32>,
    %get3A_82 = vector.shape_cast %get3A_81 : vector<16xf32> to vector<16xf32>
    %gt3A_83 = arith.cmpf ogt, %get3A_82, %select_n3A_67 : vector<16xf32>
    %select_n3A_84 = arith.select %gt3A_83, %get3A_82, %select_n3A_67 : vector<16xi1>, vector<16xf32>
    %get3A_85 = arith.constant 320 : index
    %get3A_86 = tpu.vector_load %arg8[%get3A_85] {strides = array<i32>} : memref<512xi32, #tpu.memory_space<vmem>>, vector<16xi32>,
    %get3A_87 = vector.shape_cast %get3A_86 : vector<16xi32> to vector<16xi32>
    %select_n3A_88 = arith.select %gt3A_83, %get3A_87, %select_n3A_71 : vector<16xi1>, vector<16xi32>
    %get3A_89 = arith.constant 320 : index
    %get3A_90 = tpu.vector_load %arg9[%get3A_89] {strides = array<i32>} : memref<512xf32, #tpu.memory_space<vmem>>, vector<16xf32>,
    %get3A_91 = vector.shape_cast %get3A_90 : vector<16xf32> to vector<16xf32>
    %select_n3A_92 = arith.select %gt3A_83, %get3A_91, %select_n3A_75 : vector<16xi1>, vector<16xf32>
    %get3A_93 = arith.constant 320 : index
    %get3A_94 = tpu.vector_load %arg10[%get3A_93] {strides = array<i32>} : memref<512xf32, #tpu.memory_space<vmem>>, vector<16xf32>,
    %get3A_95 = vector.shape_cast %get3A_94 : vector<16xf32> to vector<16xf32>
    %select_n3A_96 = arith.select %gt3A_83, %get3A_95, %select_n3A_79 : vector<16xi1>, vector<16xf32>
    %get3A_97 = arith.constant 384 : index
    %get3A_98 = tpu.vector_load %arg7[%get3A_97] {strides = array<i32>} : memref<512xf32, #tpu.memory_space<vmem>>, vector<16xf32>,
    %get3A_99 = vector.shape_cast %get3A_98 : vector<16xf32> to vector<16xf32>
    %gt3A_100 = arith.cmpf ogt, %get3A_99, %select_n3A_84 : vector<16xf32>
    %select_n3A_101 = arith.select %gt3A_100, %get3A_99, %select_n3A_84 : vector<16xi1>, vector<16xf32>
    %get3A_102 = arith.constant 384 : index
    %get3A_103 = tpu.vector_load %arg8[%get3A_102] {strides = array<i32>} : memref<512xi32, #tpu.memory_space<vmem>>, vector<16xi32>,
    %get3A_104 = vector.shape_cast %get3A_103 : vector<16xi32> to vector<16xi32>
    %select_n3A_105 = arith.select %gt3A_100, %get3A_104, %select_n3A_88 : vector<16xi1>, vector<16xi32>
    %get3A_106 = arith.constant 384 : index
    %get3A_107 = tpu.vector_load %arg9[%get3A_106] {strides = array<i32>} : memref<512xf32, #tpu.memory_space<vmem>>, vector<16xf32>,
    %get3A_108 = vector.shape_cast %get3A_107 : vector<16xf32> to vector<16xf32>
    %select_n3A_109 = arith.select %gt3A_100, %get3A_108, %select_n3A_92 : vector<16xi1>, vector<16xf32>
    %get3A_110 = arith.constant 384 : index
    %get3A_111 = tpu.vector_load %arg10[%get3A_110] {strides = array<i32>} : memref<512xf32, #tpu.memory_space<vmem>>, vector<16xf32>,
    %get3A_112 = vector.shape_cast %get3A_111 : vector<16xf32> to vector<16xf32>
    %select_n3A_113 = arith.select %gt3A_100, %get3A_112, %select_n3A_96 : vector<16xi1>, vector<16xf32>
    %get3A_114 = arith.constant 448 : index
    %get3A_115 = tpu.vector_load %arg7[%get3A_114] {strides = array<i32>} : memref<512xf32, #tpu.memory_space<vmem>>, vector<16xf32>,
    %get3A_116 = vector.shape_cast %get3A_115 : vector<16xf32> to vector<16xf32>
    %gt3A_117 = arith.cmpf ogt, %get3A_116, %select_n3A_101 : vector<16xf32>
    %select_n3A_118 = arith.select %gt3A_117, %get3A_116, %select_n3A_101 : vector<16xi1>, vector<16xf32>
    %get3A_119 = arith.constant 448 : index
    %get3A_120 = tpu.vector_load %arg8[%get3A_119] {strides = array<i32>} : memref<512xi32, #tpu.memory_space<vmem>>, vector<16xi32>,
    %get3A_121 = vector.shape_cast %get3A_120 : vector<16xi32> to vector<16xi32>
    %select_n3A_122 = arith.select %gt3A_117, %get3A_121, %select_n3A_105 : vector<16xi1>, vector<16xi32>
    %get3A_123 = arith.constant 448 : index
    %get3A_124 = tpu.vector_load %arg9[%get3A_123] {strides = array<i32>} : memref<512xf32, #tpu.memory_space<vmem>>, vector<16xf32>,
    %get3A_125 = vector.shape_cast %get3A_124 : vector<16xf32> to vector<16xf32>
    %select_n3A_126 = arith.select %gt3A_117, %get3A_125, %select_n3A_109 : vector<16xi1>, vector<16xf32>
    %get3A_127 = arith.constant 448 : index
    %get3A_128 = tpu.vector_load %arg10[%get3A_127] {strides = array<i32>} : memref<512xf32, #tpu.memory_space<vmem>>, vector<16xf32>,
    %get3A_129 = vector.shape_cast %get3A_128 : vector<16xf32> to vector<16xf32>
    %select_n3A_130 = arith.select %gt3A_117, %get3A_129, %select_n3A_113 : vector<16xi1>, vector<16xf32>
    %div3A = arith.divf %select_n3A_126, %select_n3A_130 : vector<16xf32>
    %get3A_131 = arith.constant 16 : index
    %get3A_132 = tpu.vector_load %arg7[%get3A_131] {strides = array<i32>} : memref<512xf32, #tpu.memory_space<vmem>>, vector<16xf32>,
    %get3A_133 = vector.shape_cast %get3A_132 : vector<16xf32> to vector<16xf32>
    %get3A_134 = arith.constant 16 : index
    %get3A_135 = tpu.vector_load %arg8[%get3A_134] {strides = array<i32>} : memref<512xi32, #tpu.memory_space<vmem>>, vector<16xi32>,
    %get3A_136 = vector.shape_cast %get3A_135 : vector<16xi32> to vector<16xi32>
    %get3A_137 = arith.constant 16 : index
    %get3A_138 = tpu.vector_load %arg9[%get3A_137] {strides = array<i32>} : memref<512xf32, #tpu.memory_space<vmem>>, vector<16xf32>,
    %get3A_139 = vector.shape_cast %get3A_138 : vector<16xf32> to vector<16xf32>
    %get3A_140 = arith.constant 16 : index
    %get3A_141 = tpu.vector_load %arg10[%get3A_140] {strides = array<i32>} : memref<512xf32, #tpu.memory_space<vmem>>, vector<16xf32>,
    %get3A_142 = vector.shape_cast %get3A_141 : vector<16xf32> to vector<16xf32>
    %get3A_143 = arith.constant 80 : index
    %get3A_144 = tpu.vector_load %arg7[%get3A_143] {strides = array<i32>} : memref<512xf32, #tpu.memory_space<vmem>>, vector<16xf32>,
    %get3A_145 = vector.shape_cast %get3A_144 : vector<16xf32> to vector<16xf32>
    %gt3A_146 = arith.cmpf ogt, %get3A_145, %get3A_133 : vector<16xf32>
    %select_n3A_147 = arith.select %gt3A_146, %get3A_145, %get3A_133 : vector<16xi1>, vector<16xf32>
    %get3A_148 = arith.constant 80 : index
    %get3A_149 = tpu.vector_load %arg8[%get3A_148] {strides = array<i32>} : memref<512xi32, #tpu.memory_space<vmem>>, vector<16xi32>,
    %get3A_150 = vector.shape_cast %get3A_149 : vector<16xi32> to vector<16xi32>
    %select_n3A_151 = arith.select %gt3A_146, %get3A_150, %get3A_136 : vector<16xi1>, vector<16xi32>
    %get3A_152 = arith.constant 80 : index
    %get3A_153 = tpu.vector_load %arg9[%get3A_152] {strides = array<i32>} : memref<512xf32, #tpu.memory_space<vmem>>, vector<16xf32>,
    %get3A_154 = vector.shape_cast %get3A_153 : vector<16xf32> to vector<16xf32>
    %select_n3A_155 = arith.select %gt3A_146, %get3A_154, %get3A_139 : vector<16xi1>, vector<16xf32>
    %get3A_156 = arith.constant 80 : index
    %get3A_157 = tpu.vector_load %arg10[%get3A_156] {strides = array<i32>} : memref<512xf32, #tpu.memory_space<vmem>>, vector<16xf32>,
    %get3A_158 = vector.shape_cast %get3A_157 : vector<16xf32> to vector<16xf32>
    %select_n3A_159 = arith.select %gt3A_146, %get3A_158, %get3A_142 : vector<16xi1>, vector<16xf32>
    %get3A_160 = arith.constant 144 : index
    %get3A_161 = tpu.vector_load %arg7[%get3A_160] {strides = array<i32>} : memref<512xf32, #tpu.memory_space<vmem>>, vector<16xf32>,
    %get3A_162 = vector.shape_cast %get3A_161 : vector<16xf32> to vector<16xf32>
    %gt3A_163 = arith.cmpf ogt, %get3A_162, %select_n3A_147 : vector<16xf32>
    %select_n3A_164 = arith.select %gt3A_163, %get3A_162, %select_n3A_147 : vector<16xi1>, vector<16xf32>
    %get3A_165 = arith.constant 144 : index
    %get3A_166 = tpu.vector_load %arg8[%get3A_165] {strides = array<i32>} : memref<512xi32, #tpu.memory_space<vmem>>, vector<16xi32>,
    %get3A_167 = vector.shape_cast %get3A_166 : vector<16xi32> to vector<16xi32>
    %select_n3A_168 = arith.select %gt3A_163, %get3A_167, %select_n3A_151 : vector<16xi1>, vector<16xi32>
    %get3A_169 = arith.constant 144 : index
    %get3A_170 = tpu.vector_load %arg9[%get3A_169] {strides = array<i32>} : memref<512xf32, #tpu.memory_space<vmem>>, vector<16xf32>,
    %get3A_171 = vector.shape_cast %get3A_170 : vector<16xf32> to vector<16xf32>
    %select_n3A_172 = arith.select %gt3A_163, %get3A_171, %select_n3A_155 : vector<16xi1>, vector<16xf32>
    %get3A_173 = arith.constant 144 : index
    %get3A_174 = tpu.vector_load %arg10[%get3A_173] {strides = array<i32>} : memref<512xf32, #tpu.memory_space<vmem>>, vector<16xf32>,
    %get3A_175 = vector.shape_cast %get3A_174 : vector<16xf32> to vector<16xf32>
    %select_n3A_176 = arith.select %gt3A_163, %get3A_175, %select_n3A_159 : vector<16xi1>, vector<16xf32>
    %get3A_177 = arith.constant 208 : index
    %get3A_178 = tpu.vector_load %arg7[%get3A_177] {strides = array<i32>} : memref<512xf32, #tpu.memory_space<vmem>>, vector<16xf32>,
    %get3A_179 = vector.shape_cast %get3A_178 : vector<16xf32> to vector<16xf32>
    %gt3A_180 = arith.cmpf ogt, %get3A_179, %select_n3A_164 : vector<16xf32>
    %select_n3A_181 = arith.select %gt3A_180, %get3A_179, %select_n3A_164 : vector<16xi1>, vector<16xf32>
    %get3A_182 = arith.constant 208 : index
    %get3A_183 = tpu.vector_load %arg8[%get3A_182] {strides = array<i32>} : memref<512xi32, #tpu.memory_space<vmem>>, vector<16xi32>,
    %get3A_184 = vector.shape_cast %get3A_183 : vector<16xi32> to vector<16xi32>
    %select_n3A_185 = arith.select %gt3A_180, %get3A_184, %select_n3A_168 : vector<16xi1>, vector<16xi32>
    %get3A_186 = arith.constant 208 : index
    %get3A_187 = tpu.vector_load %arg9[%get3A_186] {strides = array<i32>} : memref<512xf32, #tpu.memory_space<vmem>>, vector<16xf32>,
    %get3A_188 = vector.shape_cast %get3A_187 : vector<16xf32> to vector<16xf32>
    %select_n3A_189 = arith.select %gt3A_180, %get3A_188, %select_n3A_172 : vector<16xi1>, vector<16xf32>
    %get3A_190 = arith.constant 208 : index
    %get3A_191 = tpu.vector_load %arg10[%get3A_190] {strides = array<i32>} : memref<512xf32, #tpu.memory_space<vmem>>, vector<16xf32>,
    %get3A_192 = vector.shape_cast %get3A_191 : vector<16xf32> to vector<16xf32>
    %select_n3A_193 = arith.select %gt3A_180, %get3A_192, %select_n3A_176 : vector<16xi1>, vector<16xf32>
    %get3A_194 = arith.constant 272 : index
    %get3A_195 = tpu.vector_load %arg7[%get3A_194] {strides = array<i32>} : memref<512xf32, #tpu.memory_space<vmem>>, vector<16xf32>,
    %get3A_196 = vector.shape_cast %get3A_195 : vector<16xf32> to vector<16xf32>
    %gt3A_197 = arith.cmpf ogt, %get3A_196, %select_n3A_181 : vector<16xf32>
    %select_n3A_198 = arith.select %gt3A_197, %get3A_196, %select_n3A_181 : vector<16xi1>, vector<16xf32>
    %get3A_199 = arith.constant 272 : index
    %get3A_200 = tpu.vector_load %arg8[%get3A_199] {strides = array<i32>} : memref<512xi32, #tpu.memory_space<vmem>>, vector<16xi32>,
    %get3A_201 = vector.shape_cast %get3A_200 : vector<16xi32> to vector<16xi32>
    %select_n3A_202 = arith.select %gt3A_197, %get3A_201, %select_n3A_185 : vector<16xi1>, vector<16xi32>
    %get3A_203 = arith.constant 272 : index
    %get3A_204 = tpu.vector_load %arg9[%get3A_203] {strides = array<i32>} : memref<512xf32, #tpu.memory_space<vmem>>, vector<16xf32>,
    %get3A_205 = vector.shape_cast %get3A_204 : vector<16xf32> to vector<16xf32>
    %select_n3A_206 = arith.select %gt3A_197, %get3A_205, %select_n3A_189 : vector<16xi1>, vector<16xf32>
    %get3A_207 = arith.constant 272 : index
    %get3A_208 = tpu.vector_load %arg10[%get3A_207] {strides = array<i32>} : memref<512xf32, #tpu.memory_space<vmem>>, vector<16xf32>,
    %get3A_209 = vector.shape_cast %get3A_208 : vector<16xf32> to vector<16xf32>
    %select_n3A_210 = arith.select %gt3A_197, %get3A_209, %select_n3A_193 : vector<16xi1>, vector<16xf32>
    %get3A_211 = arith.constant 336 : index
    %get3A_212 = tpu.vector_load %arg7[%get3A_211] {strides = array<i32>} : memref<512xf32, #tpu.memory_space<vmem>>, vector<16xf32>,
    %get3A_213 = vector.shape_cast %get3A_212 : vector<16xf32> to vector<16xf32>
    %gt3A_214 = arith.cmpf ogt, %get3A_213, %select_n3A_198 : vector<16xf32>
    %select_n3A_215 = arith.select %gt3A_214, %get3A_213, %select_n3A_198 : vector<16xi1>, vector<16xf32>
    %get3A_216 = arith.constant 336 : index
    %get3A_217 = tpu.vector_load %arg8[%get3A_216] {strides = array<i32>} : memref<512xi32, #tpu.memory_space<vmem>>, vector<16xi32>,
    %get3A_218 = vector.shape_cast %get3A_217 : vector<16xi32> to vector<16xi32>
    %select_n3A_219 = arith.select %gt3A_214, %get3A_218, %select_n3A_202 : vector<16xi1>, vector<16xi32>
    %get3A_220 = arith.constant 336 : index
    %get3A_221 = tpu.vector_load %arg9[%get3A_220] {strides = array<i32>} : memref<512xf32, #tpu.memory_space<vmem>>, vector<16xf32>,
    %get3A_222 = vector.shape_cast %get3A_221 : vector<16xf32> to vector<16xf32>
    %select_n3A_223 = arith.select %gt3A_214, %get3A_222, %select_n3A_206 : vector<16xi1>, vector<16xf32>
    %get3A_224 = arith.constant 336 : index
    %get3A_225 = tpu.vector_load %arg10[%get3A_224] {strides = array<i32>} : memref<512xf32, #tpu.memory_space<vmem>>, vector<16xf32>,
    %get3A_226 = vector.shape_cast %get3A_225 : vector<16xf32> to vector<16xf32>
    %select_n3A_227 = arith.select %gt3A_214, %get3A_226, %select_n3A_210 : vector<16xi1>, vector<16xf32>
    %get3A_228 = arith.constant 400 : index
    %get3A_229 = tpu.vector_load %arg7[%get3A_228] {strides = array<i32>} : memref<512xf32, #tpu.memory_space<vmem>>, vector<16xf32>,
    %get3A_230 = vector.shape_cast %get3A_229 : vector<16xf32> to vector<16xf32>
    %gt3A_231 = arith.cmpf ogt, %get3A_230, %select_n3A_215 : vector<16xf32>
    %select_n3A_232 = arith.select %gt3A_231, %get3A_230, %select_n3A_215 : vector<16xi1>, vector<16xf32>
    %get3A_233 = arith.constant 400 : index
    %get3A_234 = tpu.vector_load %arg8[%get3A_233] {strides = array<i32>} : memref<512xi32, #tpu.memory_space<vmem>>, vector<16xi32>,
    %get3A_235 = vector.shape_cast %get3A_234 : vector<16xi32> to vector<16xi32>
    %select_n3A_236 = arith.select %gt3A_231, %get3A_235, %select_n3A_219 : vector<16xi1>, vector<16xi32>
    %get3A_237 = arith.constant 400 : index
    %get3A_238 = tpu.vector_load %arg9[%get3A_237] {strides = array<i32>} : memref<512xf32, #tpu.memory_space<vmem>>, vector<16xf32>,
    %get3A_239 = vector.shape_cast %get3A_238 : vector<16xf32> to vector<16xf32>
    %select_n3A_240 = arith.select %gt3A_231, %get3A_239, %select_n3A_223 : vector<16xi1>, vector<16xf32>
    %get3A_241 = arith.constant 400 : index
    %get3A_242 = tpu.vector_load %arg10[%get3A_241] {strides = array<i32>} : memref<512xf32, #tpu.memory_space<vmem>>, vector<16xf32>,
    %get3A_243 = vector.shape_cast %get3A_242 : vector<16xf32> to vector<16xf32>
    %select_n3A_244 = arith.select %gt3A_231, %get3A_243, %select_n3A_227 : vector<16xi1>, vector<16xf32>
    %get3A_245 = arith.constant 464 : index
    %get3A_246 = tpu.vector_load %arg7[%get3A_245] {strides = array<i32>} : memref<512xf32, #tpu.memory_space<vmem>>, vector<16xf32>,
    %get3A_247 = vector.shape_cast %get3A_246 : vector<16xf32> to vector<16xf32>
    %gt3A_248 = arith.cmpf ogt, %get3A_247, %select_n3A_232 : vector<16xf32>
    %select_n3A_249 = arith.select %gt3A_248, %get3A_247, %select_n3A_232 : vector<16xi1>, vector<16xf32>
    %get3A_250 = arith.constant 464 : index
    %get3A_251 = tpu.vector_load %arg8[%get3A_250] {strides = array<i32>} : memref<512xi32, #tpu.memory_space<vmem>>, vector<16xi32>,
    %get3A_252 = vector.shape_cast %get3A_251 : vector<16xi32> to vector<16xi32>
    %select_n3A_253 = arith.select %gt3A_248, %get3A_252, %select_n3A_236 : vector<16xi1>, vector<16xi32>
    %get3A_254 = arith.constant 464 : index
    %get3A_255 = tpu.vector_load %arg9[%get3A_254] {strides = array<i32>} : memref<512xf32, #tpu.memory_space<vmem>>, vector<16xf32>,
    %get3A_256 = vector.shape_cast %get3A_255 : vector<16xf32> to vector<16xf32>
    %select_n3A_257 = arith.select %gt3A_248, %get3A_256, %select_n3A_240 : vector<16xi1>, vector<16xf32>
    %get3A_258 = arith.constant 464 : index
    %get3A_259 = tpu.vector_load %arg10[%get3A_258] {strides = array<i32>} : memref<512xf32, #tpu.memory_space<vmem>>, vector<16xf32>,
    %get3A_260 = vector.shape_cast %get3A_259 : vector<16xf32> to vector<16xf32>
    %select_n3A_261 = arith.select %gt3A_248, %get3A_260, %select_n3A_244 : vector<16xi1>, vector<16xf32>
    %div3A_262 = arith.divf %select_n3A_257, %select_n3A_261 : vector<16xf32>
    %get3A_263 = arith.constant 32 : index
    %get3A_264 = tpu.vector_load %arg7[%get3A_263] {strides = array<i32>} : memref<512xf32, #tpu.memory_space<vmem>>, vector<16xf32>,
    %get3A_265 = vector.shape_cast %get3A_264 : vector<16xf32> to vector<16xf32>
    %get3A_266 = arith.constant 32 : index
    %get3A_267 = tpu.vector_load %arg8[%get3A_266] {strides = array<i32>} : memref<512xi32, #tpu.memory_space<vmem>>, vector<16xi32>,
    %get3A_268 = vector.shape_cast %get3A_267 : vector<16xi32> to vector<16xi32>
    %get3A_269 = arith.constant 32 : index
    %get3A_270 = tpu.vector_load %arg9[%get3A_269] {strides = array<i32>} : memref<512xf32, #tpu.memory_space<vmem>>, vector<16xf32>,
    %get3A_271 = vector.shape_cast %get3A_270 : vector<16xf32> to vector<16xf32>
    %get3A_272 = arith.constant 32 : index
    %get3A_273 = tpu.vector_load %arg10[%get3A_272] {strides = array<i32>} : memref<512xf32, #tpu.memory_space<vmem>>, vector<16xf32>,
    %get3A_274 = vector.shape_cast %get3A_273 : vector<16xf32> to vector<16xf32>
    %get3A_275 = arith.constant 96 : index
    %get3A_276 = tpu.vector_load %arg7[%get3A_275] {strides = array<i32>} : memref<512xf32, #tpu.memory_space<vmem>>, vector<16xf32>,
    %get3A_277 = vector.shape_cast %get3A_276 : vector<16xf32> to vector<16xf32>
    %gt3A_278 = arith.cmpf ogt, %get3A_277, %get3A_265 : vector<16xf32>
    %select_n3A_279 = arith.select %gt3A_278, %get3A_277, %get3A_265 : vector<16xi1>, vector<16xf32>
    %get3A_280 = arith.constant 96 : index
    %get3A_281 = tpu.vector_load %arg8[%get3A_280] {strides = array<i32>} : memref<512xi32, #tpu.memory_space<vmem>>, vector<16xi32>,
    %get3A_282 = vector.shape_cast %get3A_281 : vector<16xi32> to vector<16xi32>
    %select_n3A_283 = arith.select %gt3A_278, %get3A_282, %get3A_268 : vector<16xi1>, vector<16xi32>
    %get3A_284 = arith.constant 96 : index
    %get3A_285 = tpu.vector_load %arg9[%get3A_284] {strides = array<i32>} : memref<512xf32, #tpu.memory_space<vmem>>, vector<16xf32>,
    %get3A_286 = vector.shape_cast %get3A_285 : vector<16xf32> to vector<16xf32>
    %select_n3A_287 = arith.select %gt3A_278, %get3A_286, %get3A_271 : vector<16xi1>, vector<16xf32>
    %get3A_288 = arith.constant 96 : index
    %get3A_289 = tpu.vector_load %arg10[%get3A_288] {strides = array<i32>} : memref<512xf32, #tpu.memory_space<vmem>>, vector<16xf32>,
    %get3A_290 = vector.shape_cast %get3A_289 : vector<16xf32> to vector<16xf32>
    %select_n3A_291 = arith.select %gt3A_278, %get3A_290, %get3A_274 : vector<16xi1>, vector<16xf32>
    %get3A_292 = arith.constant 160 : index
    %get3A_293 = tpu.vector_load %arg7[%get3A_292] {strides = array<i32>} : memref<512xf32, #tpu.memory_space<vmem>>, vector<16xf32>,
    %get3A_294 = vector.shape_cast %get3A_293 : vector<16xf32> to vector<16xf32>
    %gt3A_295 = arith.cmpf ogt, %get3A_294, %select_n3A_279 : vector<16xf32>
    %select_n3A_296 = arith.select %gt3A_295, %get3A_294, %select_n3A_279 : vector<16xi1>, vector<16xf32>
    %get3A_297 = arith.constant 160 : index
    %get3A_298 = tpu.vector_load %arg8[%get3A_297] {strides = array<i32>} : memref<512xi32, #tpu.memory_space<vmem>>, vector<16xi32>,
    %get3A_299 = vector.shape_cast %get3A_298 : vector<16xi32> to vector<16xi32>
    %select_n3A_300 = arith.select %gt3A_295, %get3A_299, %select_n3A_283 : vector<16xi1>, vector<16xi32>
    %get3A_301 = arith.constant 160 : index
    %get3A_302 = tpu.vector_load %arg9[%get3A_301] {strides = array<i32>} : memref<512xf32, #tpu.memory_space<vmem>>, vector<16xf32>,
    %get3A_303 = vector.shape_cast %get3A_302 : vector<16xf32> to vector<16xf32>
    %select_n3A_304 = arith.select %gt3A_295, %get3A_303, %select_n3A_287 : vector<16xi1>, vector<16xf32>
    %get3A_305 = arith.constant 160 : index
    %get3A_306 = tpu.vector_load %arg10[%get3A_305] {strides = array<i32>} : memref<512xf32, #tpu.memory_space<vmem>>, vector<16xf32>,
    %get3A_307 = vector.shape_cast %get3A_306 : vector<16xf32> to vector<16xf32>
    %select_n3A_308 = arith.select %gt3A_295, %get3A_307, %select_n3A_291 : vector<16xi1>, vector<16xf32>
    %get3A_309 = arith.constant 224 : index
    %get3A_310 = tpu.vector_load %arg7[%get3A_309] {strides = array<i32>} : memref<512xf32, #tpu.memory_space<vmem>>, vector<16xf32>,
    %get3A_311 = vector.shape_cast %get3A_310 : vector<16xf32> to vector<16xf32>
    %gt3A_312 = arith.cmpf ogt, %get3A_311, %select_n3A_296 : vector<16xf32>
    %select_n3A_313 = arith.select %gt3A_312, %get3A_311, %select_n3A_296 : vector<16xi1>, vector<16xf32>
    %get3A_314 = arith.constant 224 : index
    %get3A_315 = tpu.vector_load %arg8[%get3A_314] {strides = array<i32>} : memref<512xi32, #tpu.memory_space<vmem>>, vector<16xi32>,
    %get3A_316 = vector.shape_cast %get3A_315 : vector<16xi32> to vector<16xi32>
    %select_n3A_317 = arith.select %gt3A_312, %get3A_316, %select_n3A_300 : vector<16xi1>, vector<16xi32>
    %get3A_318 = arith.constant 224 : index
    %get3A_319 = tpu.vector_load %arg9[%get3A_318] {strides = array<i32>} : memref<512xf32, #tpu.memory_space<vmem>>, vector<16xf32>,
    %get3A_320 = vector.shape_cast %get3A_319 : vector<16xf32> to vector<16xf32>
    %select_n3A_321 = arith.select %gt3A_312, %get3A_320, %select_n3A_304 : vector<16xi1>, vector<16xf32>
    %get3A_322 = arith.constant 224 : index
    %get3A_323 = tpu.vector_load %arg10[%get3A_322] {strides = array<i32>} : memref<512xf32, #tpu.memory_space<vmem>>, vector<16xf32>,
    %get3A_324 = vector.shape_cast %get3A_323 : vector<16xf32> to vector<16xf32>
    %select_n3A_325 = arith.select %gt3A_312, %get3A_324, %select_n3A_308 : vector<16xi1>, vector<16xf32>
    %get3A_326 = arith.constant 288 : index
    %get3A_327 = tpu.vector_load %arg7[%get3A_326] {strides = array<i32>} : memref<512xf32, #tpu.memory_space<vmem>>, vector<16xf32>,
    %get3A_328 = vector.shape_cast %get3A_327 : vector<16xf32> to vector<16xf32>
    %gt3A_329 = arith.cmpf ogt, %get3A_328, %select_n3A_313 : vector<16xf32>
    %select_n3A_330 = arith.select %gt3A_329, %get3A_328, %select_n3A_313 : vector<16xi1>, vector<16xf32>
    %get3A_331 = arith.constant 288 : index
    %get3A_332 = tpu.vector_load %arg8[%get3A_331] {strides = array<i32>} : memref<512xi32, #tpu.memory_space<vmem>>, vector<16xi32>,
    %get3A_333 = vector.shape_cast %get3A_332 : vector<16xi32> to vector<16xi32>
    %select_n3A_334 = arith.select %gt3A_329, %get3A_333, %select_n3A_317 : vector<16xi1>, vector<16xi32>
    %get3A_335 = arith.constant 288 : index
    %get3A_336 = tpu.vector_load %arg9[%get3A_335] {strides = array<i32>} : memref<512xf32, #tpu.memory_space<vmem>>, vector<16xf32>,
    %get3A_337 = vector.shape_cast %get3A_336 : vector<16xf32> to vector<16xf32>
    %select_n3A_338 = arith.select %gt3A_329, %get3A_337, %select_n3A_321 : vector<16xi1>, vector<16xf32>
    %get3A_339 = arith.constant 288 : index
    %get3A_340 = tpu.vector_load %arg10[%get3A_339] {strides = array<i32>} : memref<512xf32, #tpu.memory_space<vmem>>, vector<16xf32>,
    %get3A_341 = vector.shape_cast %get3A_340 : vector<16xf32> to vector<16xf32>
    %select_n3A_342 = arith.select %gt3A_329, %get3A_341, %select_n3A_325 : vector<16xi1>, vector<16xf32>
    %get3A_343 = arith.constant 352 : index
    %get3A_344 = tpu.vector_load %arg7[%get3A_343] {strides = array<i32>} : memref<512xf32, #tpu.memory_space<vmem>>, vector<16xf32>,
    %get3A_345 = vector.shape_cast %get3A_344 : vector<16xf32> to vector<16xf32>
    %gt3A_346 = arith.cmpf ogt, %get3A_345, %select_n3A_330 : vector<16xf32>
    %select_n3A_347 = arith.select %gt3A_346, %get3A_345, %select_n3A_330 : vector<16xi1>, vector<16xf32>
    %get3A_348 = arith.constant 352 : index
    %get3A_349 = tpu.vector_load %arg8[%get3A_348] {strides = array<i32>} : memref<512xi32, #tpu.memory_space<vmem>>, vector<16xi32>,
    %get3A_350 = vector.shape_cast %get3A_349 : vector<16xi32> to vector<16xi32>
    %select_n3A_351 = arith.select %gt3A_346, %get3A_350, %select_n3A_334 : vector<16xi1>, vector<16xi32>
    %get3A_352 = arith.constant 352 : index
    %get3A_353 = tpu.vector_load %arg9[%get3A_352] {strides = array<i32>} : memref<512xf32, #tpu.memory_space<vmem>>, vector<16xf32>,
    %get3A_354 = vector.shape_cast %get3A_353 : vector<16xf32> to vector<16xf32>
    %select_n3A_355 = arith.select %gt3A_346, %get3A_354, %select_n3A_338 : vector<16xi1>, vector<16xf32>
    %get3A_356 = arith.constant 352 : index
    %get3A_357 = tpu.vector_load %arg10[%get3A_356] {strides = array<i32>} : memref<512xf32, #tpu.memory_space<vmem>>, vector<16xf32>,
    %get3A_358 = vector.shape_cast %get3A_357 : vector<16xf32> to vector<16xf32>
    %select_n3A_359 = arith.select %gt3A_346, %get3A_358, %select_n3A_342 : vector<16xi1>, vector<16xf32>
    %get3A_360 = arith.constant 416 : index
    %get3A_361 = tpu.vector_load %arg7[%get3A_360] {strides = array<i32>} : memref<512xf32, #tpu.memory_space<vmem>>, vector<16xf32>,
    %get3A_362 = vector.shape_cast %get3A_361 : vector<16xf32> to vector<16xf32>
    %gt3A_363 = arith.cmpf ogt, %get3A_362, %select_n3A_347 : vector<16xf32>
    %select_n3A_364 = arith.select %gt3A_363, %get3A_362, %select_n3A_347 : vector<16xi1>, vector<16xf32>
    %get3A_365 = arith.constant 416 : index
    %get3A_366 = tpu.vector_load %arg8[%get3A_365] {strides = array<i32>} : memref<512xi32, #tpu.memory_space<vmem>>, vector<16xi32>,
    %get3A_367 = vector.shape_cast %get3A_366 : vector<16xi32> to vector<16xi32>
    %select_n3A_368 = arith.select %gt3A_363, %get3A_367, %select_n3A_351 : vector<16xi1>, vector<16xi32>
    %get3A_369 = arith.constant 416 : index
    %get3A_370 = tpu.vector_load %arg9[%get3A_369] {strides = array<i32>} : memref<512xf32, #tpu.memory_space<vmem>>, vector<16xf32>,
    %get3A_371 = vector.shape_cast %get3A_370 : vector<16xf32> to vector<16xf32>
    %select_n3A_372 = arith.select %gt3A_363, %get3A_371, %select_n3A_355 : vector<16xi1>, vector<16xf32>
    %get3A_373 = arith.constant 416 : index
    %get3A_374 = tpu.vector_load %arg10[%get3A_373] {strides = array<i32>} : memref<512xf32, #tpu.memory_space<vmem>>, vector<16xf32>,
    %get3A_375 = vector.shape_cast %get3A_374 : vector<16xf32> to vector<16xf32>
    %select_n3A_376 = arith.select %gt3A_363, %get3A_375, %select_n3A_359 : vector<16xi1>, vector<16xf32>
    %get3A_377 = arith.constant 480 : index
    %get3A_378 = tpu.vector_load %arg7[%get3A_377] {strides = array<i32>} : memref<512xf32, #tpu.memory_space<vmem>>, vector<16xf32>,
    %get3A_379 = vector.shape_cast %get3A_378 : vector<16xf32> to vector<16xf32>
    %gt3A_380 = arith.cmpf ogt, %get3A_379, %select_n3A_364 : vector<16xf32>
    %select_n3A_381 = arith.select %gt3A_380, %get3A_379, %select_n3A_364 : vector<16xi1>, vector<16xf32>
    %get3A_382 = arith.constant 480 : index
    %get3A_383 = tpu.vector_load %arg8[%get3A_382] {strides = array<i32>} : memref<512xi32, #tpu.memory_space<vmem>>, vector<16xi32>,
    %get3A_384 = vector.shape_cast %get3A_383 : vector<16xi32> to vector<16xi32>
    %select_n3A_385 = arith.select %gt3A_380, %get3A_384, %select_n3A_368 : vector<16xi1>, vector<16xi32>
    %get3A_386 = arith.constant 480 : index
    %get3A_387 = tpu.vector_load %arg9[%get3A_386] {strides = array<i32>} : memref<512xf32, #tpu.memory_space<vmem>>, vector<16xf32>,
    %get3A_388 = vector.shape_cast %get3A_387 : vector<16xf32> to vector<16xf32>
    %select_n3A_389 = arith.select %gt3A_380, %get3A_388, %select_n3A_372 : vector<16xi1>, vector<16xf32>
    %get3A_390 = arith.constant 480 : index
    %get3A_391 = tpu.vector_load %arg10[%get3A_390] {strides = array<i32>} : memref<512xf32, #tpu.memory_space<vmem>>, vector<16xf32>,
    %get3A_392 = vector.shape_cast %get3A_391 : vector<16xf32> to vector<16xf32>
    %select_n3A_393 = arith.select %gt3A_380, %get3A_392, %select_n3A_376 : vector<16xi1>, vector<16xf32>
    %div3A_394 = arith.divf %select_n3A_389, %select_n3A_393 : vector<16xf32>
    %get3A_395 = arith.constant 48 : index
    %get3A_396 = tpu.vector_load %arg7[%get3A_395] {strides = array<i32>} : memref<512xf32, #tpu.memory_space<vmem>>, vector<16xf32>,
    %get3A_397 = vector.shape_cast %get3A_396 : vector<16xf32> to vector<16xf32>
    %get3A_398 = arith.constant 48 : index
    %get3A_399 = tpu.vector_load %arg8[%get3A_398] {strides = array<i32>} : memref<512xi32, #tpu.memory_space<vmem>>, vector<16xi32>,
    %get3A_400 = vector.shape_cast %get3A_399 : vector<16xi32> to vector<16xi32>
    %get3A_401 = arith.constant 48 : index
    %get3A_402 = tpu.vector_load %arg9[%get3A_401] {strides = array<i32>} : memref<512xf32, #tpu.memory_space<vmem>>, vector<16xf32>,
    %get3A_403 = vector.shape_cast %get3A_402 : vector<16xf32> to vector<16xf32>
    %get3A_404 = arith.constant 48 : index
    %get3A_405 = tpu.vector_load %arg10[%get3A_404] {strides = array<i32>} : memref<512xf32, #tpu.memory_space<vmem>>, vector<16xf32>,
    %get3A_406 = vector.shape_cast %get3A_405 : vector<16xf32> to vector<16xf32>
    %get3A_407 = arith.constant 112 : index
    %get3A_408 = tpu.vector_load %arg7[%get3A_407] {strides = array<i32>} : memref<512xf32, #tpu.memory_space<vmem>>, vector<16xf32>,
    %get3A_409 = vector.shape_cast %get3A_408 : vector<16xf32> to vector<16xf32>
    %gt3A_410 = arith.cmpf ogt, %get3A_409, %get3A_397 : vector<16xf32>
    %select_n3A_411 = arith.select %gt3A_410, %get3A_409, %get3A_397 : vector<16xi1>, vector<16xf32>
    %get3A_412 = arith.constant 112 : index
    %get3A_413 = tpu.vector_load %arg8[%get3A_412] {strides = array<i32>} : memref<512xi32, #tpu.memory_space<vmem>>, vector<16xi32>,
    %get3A_414 = vector.shape_cast %get3A_413 : vector<16xi32> to vector<16xi32>
    %select_n3A_415 = arith.select %gt3A_410, %get3A_414, %get3A_400 : vector<16xi1>, vector<16xi32>
    %get3A_416 = arith.constant 112 : index
    %get3A_417 = tpu.vector_load %arg9[%get3A_416] {strides = array<i32>} : memref<512xf32, #tpu.memory_space<vmem>>, vector<16xf32>,
    %get3A_418 = vector.shape_cast %get3A_417 : vector<16xf32> to vector<16xf32>
    %select_n3A_419 = arith.select %gt3A_410, %get3A_418, %get3A_403 : vector<16xi1>, vector<16xf32>
    %get3A_420 = arith.constant 112 : index
    %get3A_421 = tpu.vector_load %arg10[%get3A_420] {strides = array<i32>} : memref<512xf32, #tpu.memory_space<vmem>>, vector<16xf32>,
    %get3A_422 = vector.shape_cast %get3A_421 : vector<16xf32> to vector<16xf32>
    %select_n3A_423 = arith.select %gt3A_410, %get3A_422, %get3A_406 : vector<16xi1>, vector<16xf32>
    %get3A_424 = arith.constant 176 : index
    %get3A_425 = tpu.vector_load %arg7[%get3A_424] {strides = array<i32>} : memref<512xf32, #tpu.memory_space<vmem>>, vector<16xf32>,
    %get3A_426 = vector.shape_cast %get3A_425 : vector<16xf32> to vector<16xf32>
    %gt3A_427 = arith.cmpf ogt, %get3A_426, %select_n3A_411 : vector<16xf32>
    %select_n3A_428 = arith.select %gt3A_427, %get3A_426, %select_n3A_411 : vector<16xi1>, vector<16xf32>
    %get3A_429 = arith.constant 176 : index
    %get3A_430 = tpu.vector_load %arg8[%get3A_429] {strides = array<i32>} : memref<512xi32, #tpu.memory_space<vmem>>, vector<16xi32>,
    %get3A_431 = vector.shape_cast %get3A_430 : vector<16xi32> to vector<16xi32>
    %select_n3A_432 = arith.select %gt3A_427, %get3A_431, %select_n3A_415 : vector<16xi1>, vector<16xi32>
    %get3A_433 = arith.constant 176 : index
    %get3A_434 = tpu.vector_load %arg9[%get3A_433] {strides = array<i32>} : memref<512xf32, #tpu.memory_space<vmem>>, vector<16xf32>,
    %get3A_435 = vector.shape_cast %get3A_434 : vector<16xf32> to vector<16xf32>
    %select_n3A_436 = arith.select %gt3A_427, %get3A_435, %select_n3A_419 : vector<16xi1>, vector<16xf32>
    %get3A_437 = arith.constant 176 : index
    %get3A_438 = tpu.vector_load %arg10[%get3A_437] {strides = array<i32>} : memref<512xf32, #tpu.memory_space<vmem>>, vector<16xf32>,
    %get3A_439 = vector.shape_cast %get3A_438 : vector<16xf32> to vector<16xf32>
    %select_n3A_440 = arith.select %gt3A_427, %get3A_439, %select_n3A_423 : vector<16xi1>, vector<16xf32>
    %get3A_441 = arith.constant 240 : index
    %get3A_442 = tpu.vector_load %arg7[%get3A_441] {strides = array<i32>} : memref<512xf32, #tpu.memory_space<vmem>>, vector<16xf32>,
    %get3A_443 = vector.shape_cast %get3A_442 : vector<16xf32> to vector<16xf32>
    %gt3A_444 = arith.cmpf ogt, %get3A_443, %select_n3A_428 : vector<16xf32>
    %select_n3A_445 = arith.select %gt3A_444, %get3A_443, %select_n3A_428 : vector<16xi1>, vector<16xf32>
    %get3A_446 = arith.constant 240 : index
    %get3A_447 = tpu.vector_load %arg8[%get3A_446] {strides = array<i32>} : memref<512xi32, #tpu.memory_space<vmem>>, vector<16xi32>,
    %get3A_448 = vector.shape_cast %get3A_447 : vector<16xi32> to vector<16xi32>
    %select_n3A_449 = arith.select %gt3A_444, %get3A_448, %select_n3A_432 : vector<16xi1>, vector<16xi32>
    %get3A_450 = arith.constant 240 : index
    %get3A_451 = tpu.vector_load %arg9[%get3A_450] {strides = array<i32>} : memref<512xf32, #tpu.memory_space<vmem>>, vector<16xf32>,
    %get3A_452 = vector.shape_cast %get3A_451 : vector<16xf32> to vector<16xf32>
    %select_n3A_453 = arith.select %gt3A_444, %get3A_452, %select_n3A_436 : vector<16xi1>, vector<16xf32>
    %get3A_454 = arith.constant 240 : index
    %get3A_455 = tpu.vector_load %arg10[%get3A_454] {strides = array<i32>} : memref<512xf32, #tpu.memory_space<vmem>>, vector<16xf32>,
    %get3A_456 = vector.shape_cast %get3A_455 : vector<16xf32> to vector<16xf32>
    %select_n3A_457 = arith.select %gt3A_444, %get3A_456, %select_n3A_440 : vector<16xi1>, vector<16xf32>
    %get3A_458 = arith.constant 304 : index
    %get3A_459 = tpu.vector_load %arg7[%get3A_458] {strides = array<i32>} : memref<512xf32, #tpu.memory_space<vmem>>, vector<16xf32>,
    %get3A_460 = vector.shape_cast %get3A_459 : vector<16xf32> to vector<16xf32>
    %gt3A_461 = arith.cmpf ogt, %get3A_460, %select_n3A_445 : vector<16xf32>
    %select_n3A_462 = arith.select %gt3A_461, %get3A_460, %select_n3A_445 : vector<16xi1>, vector<16xf32>
    %get3A_463 = arith.constant 304 : index
    %get3A_464 = tpu.vector_load %arg8[%get3A_463] {strides = array<i32>} : memref<512xi32, #tpu.memory_space<vmem>>, vector<16xi32>,
    %get3A_465 = vector.shape_cast %get3A_464 : vector<16xi32> to vector<16xi32>
    %select_n3A_466 = arith.select %gt3A_461, %get3A_465, %select_n3A_449 : vector<16xi1>, vector<16xi32>
    %get3A_467 = arith.constant 304 : index
    %get3A_468 = tpu.vector_load %arg9[%get3A_467] {strides = array<i32>} : memref<512xf32, #tpu.memory_space<vmem>>, vector<16xf32>,
    %get3A_469 = vector.shape_cast %get3A_468 : vector<16xf32> to vector<16xf32>
    %select_n3A_470 = arith.select %gt3A_461, %get3A_469, %select_n3A_453 : vector<16xi1>, vector<16xf32>
    %get3A_471 = arith.constant 304 : index
    %get3A_472 = tpu.vector_load %arg10[%get3A_471] {strides = array<i32>} : memref<512xf32, #tpu.memory_space<vmem>>, vector<16xf32>,
    %get3A_473 = vector.shape_cast %get3A_472 : vector<16xf32> to vector<16xf32>
    %select_n3A_474 = arith.select %gt3A_461, %get3A_473, %select_n3A_457 : vector<16xi1>, vector<16xf32>
    %get3A_475 = arith.constant 368 : index
    %get3A_476 = tpu.vector_load %arg7[%get3A_475] {strides = array<i32>} : memref<512xf32, #tpu.memory_space<vmem>>, vector<16xf32>,
    %get3A_477 = vector.shape_cast %get3A_476 : vector<16xf32> to vector<16xf32>
    %gt3A_478 = arith.cmpf ogt, %get3A_477, %select_n3A_462 : vector<16xf32>
    %select_n3A_479 = arith.select %gt3A_478, %get3A_477, %select_n3A_462 : vector<16xi1>, vector<16xf32>
    %get3A_480 = arith.constant 368 : index
    %get3A_481 = tpu.vector_load %arg8[%get3A_480] {strides = array<i32>} : memref<512xi32, #tpu.memory_space<vmem>>, vector<16xi32>,
    %get3A_482 = vector.shape_cast %get3A_481 : vector<16xi32> to vector<16xi32>
    %select_n3A_483 = arith.select %gt3A_478, %get3A_482, %select_n3A_466 : vector<16xi1>, vector<16xi32>
    %get3A_484 = arith.constant 368 : index
    %get3A_485 = tpu.vector_load %arg9[%get3A_484] {strides = array<i32>} : memref<512xf32, #tpu.memory_space<vmem>>, vector<16xf32>,
    %get3A_486 = vector.shape_cast %get3A_485 : vector<16xf32> to vector<16xf32>
    %select_n3A_487 = arith.select %gt3A_478, %get3A_486, %select_n3A_470 : vector<16xi1>, vector<16xf32>
    %get3A_488 = arith.constant 368 : index
    %get3A_489 = tpu.vector_load %arg10[%get3A_488] {strides = array<i32>} : memref<512xf32, #tpu.memory_space<vmem>>, vector<16xf32>,
    %get3A_490 = vector.shape_cast %get3A_489 : vector<16xf32> to vector<16xf32>
    %select_n3A_491 = arith.select %gt3A_478, %get3A_490, %select_n3A_474 : vector<16xi1>, vector<16xf32>
    %get3A_492 = arith.constant 432 : index
    %get3A_493 = tpu.vector_load %arg7[%get3A_492] {strides = array<i32>} : memref<512xf32, #tpu.memory_space<vmem>>, vector<16xf32>,
    %get3A_494 = vector.shape_cast %get3A_493 : vector<16xf32> to vector<16xf32>
    %gt3A_495 = arith.cmpf ogt, %get3A_494, %select_n3A_479 : vector<16xf32>
    %select_n3A_496 = arith.select %gt3A_495, %get3A_494, %select_n3A_479 : vector<16xi1>, vector<16xf32>
    %get3A_497 = arith.constant 432 : index
    %get3A_498 = tpu.vector_load %arg8[%get3A_497] {strides = array<i32>} : memref<512xi32, #tpu.memory_space<vmem>>, vector<16xi32>,
    %get3A_499 = vector.shape_cast %get3A_498 : vector<16xi32> to vector<16xi32>
    %select_n3A_500 = arith.select %gt3A_495, %get3A_499, %select_n3A_483 : vector<16xi1>, vector<16xi32>
    %get3A_501 = arith.constant 432 : index
    %get3A_502 = tpu.vector_load %arg9[%get3A_501] {strides = array<i32>} : memref<512xf32, #tpu.memory_space<vmem>>, vector<16xf32>,
    %get3A_503 = vector.shape_cast %get3A_502 : vector<16xf32> to vector<16xf32>
    %select_n3A_504 = arith.select %gt3A_495, %get3A_503, %select_n3A_487 : vector<16xi1>, vector<16xf32>
    %get3A_505 = arith.constant 432 : index
    %get3A_506 = tpu.vector_load %arg10[%get3A_505] {strides = array<i32>} : memref<512xf32, #tpu.memory_space<vmem>>, vector<16xf32>,
    %get3A_507 = vector.shape_cast %get3A_506 : vector<16xf32> to vector<16xf32>
    %select_n3A_508 = arith.select %gt3A_495, %get3A_507, %select_n3A_491 : vector<16xi1>, vector<16xf32>
    %get3A_509 = arith.constant 496 : index
    %get3A_510 = tpu.vector_load %arg7[%get3A_509] {strides = array<i32>} : memref<512xf32, #tpu.memory_space<vmem>>, vector<16xf32>,
    %get3A_511 = vector.shape_cast %get3A_510 : vector<16xf32> to vector<16xf32>
    %gt3A_512 = arith.cmpf ogt, %get3A_511, %select_n3A_496 : vector<16xf32>
    %select_n3A_513 = arith.select %gt3A_512, %get3A_511, %select_n3A_496 : vector<16xi1>, vector<16xf32>
    %get3A_514 = arith.constant 496 : index
    %get3A_515 = tpu.vector_load %arg8[%get3A_514] {strides = array<i32>} : memref<512xi32, #tpu.memory_space<vmem>>, vector<16xi32>,
    %get3A_516 = vector.shape_cast %get3A_515 : vector<16xi32> to vector<16xi32>
    %select_n3A_517 = arith.select %gt3A_512, %get3A_516, %select_n3A_500 : vector<16xi1>, vector<16xi32>
    %get3A_518 = arith.constant 496 : index
    %get3A_519 = tpu.vector_load %arg9[%get3A_518] {strides = array<i32>} : memref<512xf32, #tpu.memory_space<vmem>>, vector<16xf32>,
    %get3A_520 = vector.shape_cast %get3A_519 : vector<16xf32> to vector<16xf32>
    %select_n3A_521 = arith.select %gt3A_512, %get3A_520, %select_n3A_504 : vector<16xi1>, vector<16xf32>
    %get3A_522 = arith.constant 496 : index
    %get3A_523 = tpu.vector_load %arg10[%get3A_522] {strides = array<i32>} : memref<512xf32, #tpu.memory_space<vmem>>, vector<16xf32>,
    %get3A_524 = vector.shape_cast %get3A_523 : vector<16xf32> to vector<16xf32>
    %select_n3A_525 = arith.select %gt3A_512, %get3A_524, %select_n3A_508 : vector<16xi1>, vector<16xf32>
    %div3A_526 = arith.divf %select_n3A_521, %select_n3A_525 : vector<16xf32>
    %scan3A = arith.constant 0 : i32
    %scan3A_527 = arith.constant 128 : i32
    %scan3A_528 = arith.addi %scan3A, %scan3A_527 : i32
    %scan3A_529 = arith.constant 1 : i32
    scf.for %scan3A_533 = %scan3A to %scan3A_528 step %scan3A_529  : i32 {
      %mul3A_534 = arith.constant 4 : i32
      %mul3A_535 = arith.muli %scan3A_533, %mul3A_534 : i32
      %add3A_536 = arith.constant 0 : i32
      %add3A_537 = arith.addi %mul3A_535, %add3A_536 : i32
      %add3A_538 = arith.addi %mul3A_2, %add3A_537 : i32
      %eq3A = vector.broadcast %add3A_538 : i32 to vector<16xi32>
      %eq3A_539 = arith.cmpi eq, %select_n3A_122, %eq3A : vector<16xi32>
      %jit3A = arith.constant 0.000000e+00 : f32
      %broadcast_in_dim3A = vector.broadcast %jit3A : f32 to vector<16xf32>
      %select_n3A_540 = arith.select %eq3A_539, %div3A, %broadcast_in_dim3A : vector<16xi1>, vector<16xf32>
      %mul3A_541 = arith.constant 64 : i32
      %mul3A_542 = arith.muli %add3A_537, %mul3A_541 : i32
      %add3A_543 = arith.constant 0 : i32
      %add3A_544 = arith.addi %mul3A_542, %add3A_543 : i32
      %multiple_of3A = tpu.assume_multiple %add3A_544, 16 : i32
      %swap3A = arith.index_cast %multiple_of3A : i32 to index
      %swap3A_545 = tpu.vector_load %arg11[%swap3A] {strides = array<i32>} : memref<32768xf32, #tpu.memory_space<vmem>>, vector<16xf32>,
      %swap3A_546 = vector.shape_cast %swap3A_545 : vector<16xf32> to vector<16xf32>
      %swap3A_547 = vector.shape_cast %select_n3A_540 : vector<16xf32> to vector<16xf32>
      tpu.vector_store %arg11[%swap3A], %swap3A_547 {strides = array<i32>} : memref<32768xf32, #tpu.memory_space<vmem>>, vector<16xf32>,
      %eq3A_548 = vector.broadcast %add3A_538 : i32 to vector<16xi32>
      %eq3A_549 = arith.cmpi eq, %select_n3A_253, %eq3A_548 : vector<16xi32>
      %jit3A_550 = arith.constant 0.000000e+00 : f32
      %broadcast_in_dim3A_551 = vector.broadcast %jit3A_550 : f32 to vector<16xf32>
      %select_n3A_552 = arith.select %eq3A_549, %div3A_262, %broadcast_in_dim3A_551 : vector<16xi1>, vector<16xf32>
      %mul3A_553 = arith.constant 64 : i32
      %mul3A_554 = arith.muli %add3A_537, %mul3A_553 : i32
      %add3A_555 = arith.constant 16 : i32
      %add3A_556 = arith.addi %mul3A_554, %add3A_555 : i32
      %multiple_of3A_557 = tpu.assume_multiple %add3A_556, 16 : i32
      %swap3A_558 = arith.index_cast %multiple_of3A_557 : i32 to index
      %swap3A_559 = tpu.vector_load %arg11[%swap3A_558] {strides = array<i32>} : memref<32768xf32, #tpu.memory_space<vmem>>, vector<16xf32>,
      %swap3A_560 = vector.shape_cast %swap3A_559 : vector<16xf32> to vector<16xf32>
      %swap3A_561 = vector.shape_cast %select_n3A_552 : vector<16xf32> to vector<16xf32>
      tpu.vector_store %arg11[%swap3A_558], %swap3A_561 {strides = array<i32>} : memref<32768xf32, #tpu.memory_space<vmem>>, vector<16xf32>,
      %eq3A_562 = vector.broadcast %add3A_538 : i32 to vector<16xi32>
      %eq3A_563 = arith.cmpi eq, %select_n3A_385, %eq3A_562 : vector<16xi32>
      %jit3A_564 = arith.constant 0.000000e+00 : f32
      %broadcast_in_dim3A_565 = vector.broadcast %jit3A_564 : f32 to vector<16xf32>
      %select_n3A_566 = arith.select %eq3A_563, %div3A_394, %broadcast_in_dim3A_565 : vector<16xi1>, vector<16xf32>
      %mul3A_567 = arith.constant 64 : i32
      %mul3A_568 = arith.muli %add3A_537, %mul3A_567 : i32
      %add3A_569 = arith.constant 32 : i32
      %add3A_570 = arith.addi %mul3A_568, %add3A_569 : i32
      %multiple_of3A_571 = tpu.assume_multiple %add3A_570, 16 : i32
      %swap3A_572 = arith.index_cast %multiple_of3A_571 : i32 to index
      %swap3A_573 = tpu.vector_load %arg11[%swap3A_572] {strides = array<i32>} : memref<32768xf32, #tpu.memory_space<vmem>>, vector<16xf32>,
      %swap3A_574 = vector.shape_cast %swap3A_573 : vector<16xf32> to vector<16xf32>
      %swap3A_575 = vector.shape_cast %select_n3A_566 : vector<16xf32> to vector<16xf32>
      tpu.vector_store %arg11[%swap3A_572], %swap3A_575 {strides = array<i32>} : memref<32768xf32, #tpu.memory_space<vmem>>, vector<16xf32>,
      %eq3A_576 = vector.broadcast %add3A_538 : i32 to vector<16xi32>
      %eq3A_577 = arith.cmpi eq, %select_n3A_517, %eq3A_576 : vector<16xi32>
      %jit3A_578 = arith.constant 0.000000e+00 : f32
      %broadcast_in_dim3A_579 = vector.broadcast %jit3A_578 : f32 to vector<16xf32>
      %select_n3A_580 = arith.select %eq3A_577, %div3A_526, %broadcast_in_dim3A_579 : vector<16xi1>, vector<16xf32>
      %mul3A_581 = arith.constant 64 : i32
      %mul3A_582 = arith.muli %add3A_537, %mul3A_581 : i32
      %add3A_583 = arith.constant 48 : i32
      %add3A_584 = arith.addi %mul3A_582, %add3A_583 : i32
      %multiple_of3A_585 = tpu.assume_multiple %add3A_584, 16 : i32
      %swap3A_586 = arith.index_cast %multiple_of3A_585 : i32 to index
      %swap3A_587 = tpu.vector_load %arg11[%swap3A_586] {strides = array<i32>} : memref<32768xf32, #tpu.memory_space<vmem>>, vector<16xf32>,
      %swap3A_588 = vector.shape_cast %swap3A_587 : vector<16xf32> to vector<16xf32>
      %swap3A_589 = vector.shape_cast %select_n3A_580 : vector<16xf32> to vector<16xf32>
      tpu.vector_store %arg11[%swap3A_586], %swap3A_589 {strides = array<i32>} : memref<32768xf32, #tpu.memory_space<vmem>>, vector<16xf32>,
      %mul3A_590 = arith.constant 4 : i32
      %mul3A_591 = arith.muli %scan3A_533, %mul3A_590 : i32
      %add3A_592 = arith.constant 1 : i32
      %add3A_593 = arith.addi %mul3A_591, %add3A_592 : i32
      %add3A_594 = arith.addi %mul3A_2, %add3A_593 : i32
      %eq3A_595 = vector.broadcast %add3A_594 : i32 to vector<16xi32>
      %eq3A_596 = arith.cmpi eq, %select_n3A_122, %eq3A_595 : vector<16xi32>
      %jit3A_597 = arith.constant 0.000000e+00 : f32
      %broadcast_in_dim3A_598 = vector.broadcast %jit3A_597 : f32 to vector<16xf32>
      %select_n3A_599 = arith.select %eq3A_596, %div3A, %broadcast_in_dim3A_598 : vector<16xi1>, vector<16xf32>
      %mul3A_600 = arith.constant 64 : i32
      %mul3A_601 = arith.muli %add3A_593, %mul3A_600 : i32
      %add3A_602 = arith.constant 0 : i32
      %add3A_603 = arith.addi %mul3A_601, %add3A_602 : i32
      %multiple_of3A_604 = tpu.assume_multiple %add3A_603, 16 : i32
      %swap3A_605 = arith.index_cast %multiple_of3A_604 : i32 to index
      %swap3A_606 = tpu.vector_load %arg11[%swap3A_605] {strides = array<i32>} : memref<32768xf32, #tpu.memory_space<vmem>>, vector<16xf32>,
      %swap3A_607 = vector.shape_cast %swap3A_606 : vector<16xf32> to vector<16xf32>
      %swap3A_608 = vector.shape_cast %select_n3A_599 : vector<16xf32> to vector<16xf32>
      tpu.vector_store %arg11[%swap3A_605], %swap3A_608 {strides = array<i32>} : memref<32768xf32, #tpu.memory_space<vmem>>, vector<16xf32>,
      %eq3A_609 = vector.broadcast %add3A_594 : i32 to vector<16xi32>
      %eq3A_610 = arith.cmpi eq, %select_n3A_253, %eq3A_609 : vector<16xi32>
      %jit3A_611 = arith.constant 0.000000e+00 : f32
      %broadcast_in_dim3A_612 = vector.broadcast %jit3A_611 : f32 to vector<16xf32>
      %select_n3A_613 = arith.select %eq3A_610, %div3A_262, %broadcast_in_dim3A_612 : vector<16xi1>, vector<16xf32>
      %mul3A_614 = arith.constant 64 : i32
      %mul3A_615 = arith.muli %add3A_593, %mul3A_614 : i32
      %add3A_616 = arith.constant 16 : i32
      %add3A_617 = arith.addi %mul3A_615, %add3A_616 : i32
      %multiple_of3A_618 = tpu.assume_multiple %add3A_617, 16 : i32
      %swap3A_619 = arith.index_cast %multiple_of3A_618 : i32 to index
      %swap3A_620 = tpu.vector_load %arg11[%swap3A_619] {strides = array<i32>} : memref<32768xf32, #tpu.memory_space<vmem>>, vector<16xf32>,
      %swap3A_621 = vector.shape_cast %swap3A_620 : vector<16xf32> to vector<16xf32>
      %swap3A_622 = vector.shape_cast %select_n3A_613 : vector<16xf32> to vector<16xf32>
      tpu.vector_store %arg11[%swap3A_619], %swap3A_622 {strides = array<i32>} : memref<32768xf32, #tpu.memory_space<vmem>>, vector<16xf32>,
      %eq3A_623 = vector.broadcast %add3A_594 : i32 to vector<16xi32>
      %eq3A_624 = arith.cmpi eq, %select_n3A_385, %eq3A_623 : vector<16xi32>
      %jit3A_625 = arith.constant 0.000000e+00 : f32
      %broadcast_in_dim3A_626 = vector.broadcast %jit3A_625 : f32 to vector<16xf32>
      %select_n3A_627 = arith.select %eq3A_624, %div3A_394, %broadcast_in_dim3A_626 : vector<16xi1>, vector<16xf32>
      %mul3A_628 = arith.constant 64 : i32
      %mul3A_629 = arith.muli %add3A_593, %mul3A_628 : i32
      %add3A_630 = arith.constant 32 : i32
      %add3A_631 = arith.addi %mul3A_629, %add3A_630 : i32
      %multiple_of3A_632 = tpu.assume_multiple %add3A_631, 16 : i32
      %swap3A_633 = arith.index_cast %multiple_of3A_632 : i32 to index
      %swap3A_634 = tpu.vector_load %arg11[%swap3A_633] {strides = array<i32>} : memref<32768xf32, #tpu.memory_space<vmem>>, vector<16xf32>,
      %swap3A_635 = vector.shape_cast %swap3A_634 : vector<16xf32> to vector<16xf32>
      %swap3A_636 = vector.shape_cast %select_n3A_627 : vector<16xf32> to vector<16xf32>
      tpu.vector_store %arg11[%swap3A_633], %swap3A_636 {strides = array<i32>} : memref<32768xf32, #tpu.memory_space<vmem>>, vector<16xf32>,
      %eq3A_637 = vector.broadcast %add3A_594 : i32 to vector<16xi32>
      %eq3A_638 = arith.cmpi eq, %select_n3A_517, %eq3A_637 : vector<16xi32>
      %jit3A_639 = arith.constant 0.000000e+00 : f32
      %broadcast_in_dim3A_640 = vector.broadcast %jit3A_639 : f32 to vector<16xf32>
      %select_n3A_641 = arith.select %eq3A_638, %div3A_526, %broadcast_in_dim3A_640 : vector<16xi1>, vector<16xf32>
      %mul3A_642 = arith.constant 64 : i32
      %mul3A_643 = arith.muli %add3A_593, %mul3A_642 : i32
      %add3A_644 = arith.constant 48 : i32
      %add3A_645 = arith.addi %mul3A_643, %add3A_644 : i32
      %multiple_of3A_646 = tpu.assume_multiple %add3A_645, 16 : i32
      %swap3A_647 = arith.index_cast %multiple_of3A_646 : i32 to index
      %swap3A_648 = tpu.vector_load %arg11[%swap3A_647] {strides = array<i32>} : memref<32768xf32, #tpu.memory_space<vmem>>, vector<16xf32>,
      %swap3A_649 = vector.shape_cast %swap3A_648 : vector<16xf32> to vector<16xf32>
      %swap3A_650 = vector.shape_cast %select_n3A_641 : vector<16xf32> to vector<16xf32>
      tpu.vector_store %arg11[%swap3A_647], %swap3A_650 {strides = array<i32>} : memref<32768xf32, #tpu.memory_space<vmem>>, vector<16xf32>,
      %mul3A_651 = arith.constant 4 : i32
      %mul3A_652 = arith.muli %scan3A_533, %mul3A_651 : i32
      %add3A_653 = arith.constant 2 : i32
      %add3A_654 = arith.addi %mul3A_652, %add3A_653 : i32
      %add3A_655 = arith.addi %mul3A_2, %add3A_654 : i32
      %eq3A_656 = vector.broadcast %add3A_655 : i32 to vector<16xi32>
      %eq3A_657 = arith.cmpi eq, %select_n3A_122, %eq3A_656 : vector<16xi32>
      %jit3A_658 = arith.constant 0.000000e+00 : f32
      %broadcast_in_dim3A_659 = vector.broadcast %jit3A_658 : f32 to vector<16xf32>
      %select_n3A_660 = arith.select %eq3A_657, %div3A, %broadcast_in_dim3A_659 : vector<16xi1>, vector<16xf32>
      %mul3A_661 = arith.constant 64 : i32
      %mul3A_662 = arith.muli %add3A_654, %mul3A_661 : i32
      %add3A_663 = arith.constant 0 : i32
      %add3A_664 = arith.addi %mul3A_662, %add3A_663 : i32
      %multiple_of3A_665 = tpu.assume_multiple %add3A_664, 16 : i32
      %swap3A_666 = arith.index_cast %multiple_of3A_665 : i32 to index
      %swap3A_667 = tpu.vector_load %arg11[%swap3A_666] {strides = array<i32>} : memref<32768xf32, #tpu.memory_space<vmem>>, vector<16xf32>,
      %swap3A_668 = vector.shape_cast %swap3A_667 : vector<16xf32> to vector<16xf32>
      %swap3A_669 = vector.shape_cast %select_n3A_660 : vector<16xf32> to vector<16xf32>
      tpu.vector_store %arg11[%swap3A_666], %swap3A_669 {strides = array<i32>} : memref<32768xf32, #tpu.memory_space<vmem>>, vector<16xf32>,
      %eq3A_670 = vector.broadcast %add3A_655 : i32 to vector<16xi32>
      %eq3A_671 = arith.cmpi eq, %select_n3A_253, %eq3A_670 : vector<16xi32>
      %jit3A_672 = arith.constant 0.000000e+00 : f32
      %broadcast_in_dim3A_673 = vector.broadcast %jit3A_672 : f32 to vector<16xf32>
      %select_n3A_674 = arith.select %eq3A_671, %div3A_262, %broadcast_in_dim3A_673 : vector<16xi1>, vector<16xf32>
      %mul3A_675 = arith.constant 64 : i32
      %mul3A_676 = arith.muli %add3A_654, %mul3A_675 : i32
      %add3A_677 = arith.constant 16 : i32
      %add3A_678 = arith.addi %mul3A_676, %add3A_677 : i32
      %multiple_of3A_679 = tpu.assume_multiple %add3A_678, 16 : i32
      %swap3A_680 = arith.index_cast %multiple_of3A_679 : i32 to index
      %swap3A_681 = tpu.vector_load %arg11[%swap3A_680] {strides = array<i32>} : memref<32768xf32, #tpu.memory_space<vmem>>, vector<16xf32>,
      %swap3A_682 = vector.shape_cast %swap3A_681 : vector<16xf32> to vector<16xf32>
      %swap3A_683 = vector.shape_cast %select_n3A_674 : vector<16xf32> to vector<16xf32>
      tpu.vector_store %arg11[%swap3A_680], %swap3A_683 {strides = array<i32>} : memref<32768xf32, #tpu.memory_space<vmem>>, vector<16xf32>,
      %eq3A_684 = vector.broadcast %add3A_655 : i32 to vector<16xi32>
      %eq3A_685 = arith.cmpi eq, %select_n3A_385, %eq3A_684 : vector<16xi32>
      %jit3A_686 = arith.constant 0.000000e+00 : f32
      %broadcast_in_dim3A_687 = vector.broadcast %jit3A_686 : f32 to vector<16xf32>
      %select_n3A_688 = arith.select %eq3A_685, %div3A_394, %broadcast_in_dim3A_687 : vector<16xi1>, vector<16xf32>
      %mul3A_689 = arith.constant 64 : i32
      %mul3A_690 = arith.muli %add3A_654, %mul3A_689 : i32
      %add3A_691 = arith.constant 32 : i32
      %add3A_692 = arith.addi %mul3A_690, %add3A_691 : i32
      %multiple_of3A_693 = tpu.assume_multiple %add3A_692, 16 : i32
      %swap3A_694 = arith.index_cast %multiple_of3A_693 : i32 to index
      %swap3A_695 = tpu.vector_load %arg11[%swap3A_694] {strides = array<i32>} : memref<32768xf32, #tpu.memory_space<vmem>>, vector<16xf32>,
      %swap3A_696 = vector.shape_cast %swap3A_695 : vector<16xf32> to vector<16xf32>
      %swap3A_697 = vector.shape_cast %select_n3A_688 : vector<16xf32> to vector<16xf32>
      tpu.vector_store %arg11[%swap3A_694], %swap3A_697 {strides = array<i32>} : memref<32768xf32, #tpu.memory_space<vmem>>, vector<16xf32>,
      %eq3A_698 = vector.broadcast %add3A_655 : i32 to vector<16xi32>
      %eq3A_699 = arith.cmpi eq, %select_n3A_517, %eq3A_698 : vector<16xi32>
      %jit3A_700 = arith.constant 0.000000e+00 : f32
      %broadcast_in_dim3A_701 = vector.broadcast %jit3A_700 : f32 to vector<16xf32>
      %select_n3A_702 = arith.select %eq3A_699, %div3A_526, %broadcast_in_dim3A_701 : vector<16xi1>, vector<16xf32>
      %mul3A_703 = arith.constant 64 : i32
      %mul3A_704 = arith.muli %add3A_654, %mul3A_703 : i32
      %add3A_705 = arith.constant 48 : i32
      %add3A_706 = arith.addi %mul3A_704, %add3A_705 : i32
      %multiple_of3A_707 = tpu.assume_multiple %add3A_706, 16 : i32
      %swap3A_708 = arith.index_cast %multiple_of3A_707 : i32 to index
      %swap3A_709 = tpu.vector_load %arg11[%swap3A_708] {strides = array<i32>} : memref<32768xf32, #tpu.memory_space<vmem>>, vector<16xf32>,
      %swap3A_710 = vector.shape_cast %swap3A_709 : vector<16xf32> to vector<16xf32>
      %swap3A_711 = vector.shape_cast %select_n3A_702 : vector<16xf32> to vector<16xf32>
      tpu.vector_store %arg11[%swap3A_708], %swap3A_711 {strides = array<i32>} : memref<32768xf32, #tpu.memory_space<vmem>>, vector<16xf32>,
      %mul3A_712 = arith.constant 4 : i32
      %mul3A_713 = arith.muli %scan3A_533, %mul3A_712 : i32
      %add3A_714 = arith.constant 3 : i32
      %add3A_715 = arith.addi %mul3A_713, %add3A_714 : i32
      %add3A_716 = arith.addi %mul3A_2, %add3A_715 : i32
      %eq3A_717 = vector.broadcast %add3A_716 : i32 to vector<16xi32>
      %eq3A_718 = arith.cmpi eq, %select_n3A_122, %eq3A_717 : vector<16xi32>
      %jit3A_719 = arith.constant 0.000000e+00 : f32
      %broadcast_in_dim3A_720 = vector.broadcast %jit3A_719 : f32 to vector<16xf32>
      %select_n3A_721 = arith.select %eq3A_718, %div3A, %broadcast_in_dim3A_720 : vector<16xi1>, vector<16xf32>
      %mul3A_722 = arith.constant 64 : i32
      %mul3A_723 = arith.muli %add3A_715, %mul3A_722 : i32
      %add3A_724 = arith.constant 0 : i32
      %add3A_725 = arith.addi %mul3A_723, %add3A_724 : i32
      %multiple_of3A_726 = tpu.assume_multiple %add3A_725, 16 : i32
      %swap3A_727 = arith.index_cast %multiple_of3A_726 : i32 to index
      %swap3A_728 = tpu.vector_load %arg11[%swap3A_727] {strides = array<i32>} : memref<32768xf32, #tpu.memory_space<vmem>>, vector<16xf32>,
      %swap3A_729 = vector.shape_cast %swap3A_728 : vector<16xf32> to vector<16xf32>
      %swap3A_730 = vector.shape_cast %select_n3A_721 : vector<16xf32> to vector<16xf32>
      tpu.vector_store %arg11[%swap3A_727], %swap3A_730 {strides = array<i32>} : memref<32768xf32, #tpu.memory_space<vmem>>, vector<16xf32>,
      %eq3A_731 = vector.broadcast %add3A_716 : i32 to vector<16xi32>
      %eq3A_732 = arith.cmpi eq, %select_n3A_253, %eq3A_731 : vector<16xi32>
      %jit3A_733 = arith.constant 0.000000e+00 : f32
      %broadcast_in_dim3A_734 = vector.broadcast %jit3A_733 : f32 to vector<16xf32>
      %select_n3A_735 = arith.select %eq3A_732, %div3A_262, %broadcast_in_dim3A_734 : vector<16xi1>, vector<16xf32>
      %mul3A_736 = arith.constant 64 : i32
      %mul3A_737 = arith.muli %add3A_715, %mul3A_736 : i32
      %add3A_738 = arith.constant 16 : i32
      %add3A_739 = arith.addi %mul3A_737, %add3A_738 : i32
      %multiple_of3A_740 = tpu.assume_multiple %add3A_739, 16 : i32
      %swap3A_741 = arith.index_cast %multiple_of3A_740 : i32 to index
      %swap3A_742 = tpu.vector_load %arg11[%swap3A_741] {strides = array<i32>} : memref<32768xf32, #tpu.memory_space<vmem>>, vector<16xf32>,
      %swap3A_743 = vector.shape_cast %swap3A_742 : vector<16xf32> to vector<16xf32>
      %swap3A_744 = vector.shape_cast %select_n3A_735 : vector<16xf32> to vector<16xf32>
      tpu.vector_store %arg11[%swap3A_741], %swap3A_744 {strides = array<i32>} : memref<32768xf32, #tpu.memory_space<vmem>>, vector<16xf32>,
      %eq3A_745 = vector.broadcast %add3A_716 : i32 to vector<16xi32>
      %eq3A_746 = arith.cmpi eq, %select_n3A_385, %eq3A_745 : vector<16xi32>
      %jit3A_747 = arith.constant 0.000000e+00 : f32
      %broadcast_in_dim3A_748 = vector.broadcast %jit3A_747 : f32 to vector<16xf32>
      %select_n3A_749 = arith.select %eq3A_746, %div3A_394, %broadcast_in_dim3A_748 : vector<16xi1>, vector<16xf32>
      %mul3A_750 = arith.constant 64 : i32
      %mul3A_751 = arith.muli %add3A_715, %mul3A_750 : i32
      %add3A_752 = arith.constant 32 : i32
      %add3A_753 = arith.addi %mul3A_751, %add3A_752 : i32
      %multiple_of3A_754 = tpu.assume_multiple %add3A_753, 16 : i32
      %swap3A_755 = arith.index_cast %multiple_of3A_754 : i32 to index
      %swap3A_756 = tpu.vector_load %arg11[%swap3A_755] {strides = array<i32>} : memref<32768xf32, #tpu.memory_space<vmem>>, vector<16xf32>,
      %swap3A_757 = vector.shape_cast %swap3A_756 : vector<16xf32> to vector<16xf32>
      %swap3A_758 = vector.shape_cast %select_n3A_749 : vector<16xf32> to vector<16xf32>
      tpu.vector_store %arg11[%swap3A_755], %swap3A_758 {strides = array<i32>} : memref<32768xf32, #tpu.memory_space<vmem>>, vector<16xf32>,
      %eq3A_759 = vector.broadcast %add3A_716 : i32 to vector<16xi32>
      %eq3A_760 = arith.cmpi eq, %select_n3A_517, %eq3A_759 : vector<16xi32>
      %jit3A_761 = arith.constant 0.000000e+00 : f32
      %broadcast_in_dim3A_762 = vector.broadcast %jit3A_761 : f32 to vector<16xf32>
      %select_n3A_763 = arith.select %eq3A_760, %div3A_526, %broadcast_in_dim3A_762 : vector<16xi1>, vector<16xf32>
      %mul3A_764 = arith.constant 64 : i32
      %mul3A_765 = arith.muli %add3A_715, %mul3A_764 : i32
      %add3A_766 = arith.constant 48 : i32
      %add3A_767 = arith.addi %mul3A_765, %add3A_766 : i32
      %multiple_of3A_768 = tpu.assume_multiple %add3A_767, 16 : i32
      %swap3A_769 = arith.index_cast %multiple_of3A_768 : i32 to index
      %swap3A_770 = tpu.vector_load %arg11[%swap3A_769] {strides = array<i32>} : memref<32768xf32, #tpu.memory_space<vmem>>, vector<16xf32>,
      %swap3A_771 = vector.shape_cast %swap3A_770 : vector<16xf32> to vector<16xf32>
      %swap3A_772 = vector.shape_cast %select_n3A_763 : vector<16xf32> to vector<16xf32>
      tpu.vector_store %arg11[%swap3A_769], %swap3A_772 {strides = array<i32>} : memref<32768xf32, #tpu.memory_space<vmem>>, vector<16xf32>,
    }
    %scan3A_530 = arith.constant 128 : i32
    %mul3A_531 = arith.constant 64 : i32
    %mul3A_532 = arith.muli %mul3A_2, %mul3A_531 : i32
    "tpu.region"() ({
      %run_scoped3A = tpu.sem_alloc : memref<!tpu.dma_semaphore, #tpu.memory_space<semaphore_mem>>
      %dma_start3A = tpu.memref_slice %arg6[%mul3A_532] : memref<1048576xf32, #tpu.memory_space<hbm>> -> memref<32768xf32, #tpu.memory_space<hbm>>
      %dma_start3A_533 = tpu.memref_slice %arg6[%mul3A_532] : memref<1048576xf32, #tpu.memory_space<hbm>> -> memref<32768xf32, #tpu.memory_space<hbm>>
      tpu.enqueue_dma source(%arg11 : memref<32768xf32, #tpu.memory_space<vmem>>) target(%dma_start3A_533 : memref<32768xf32, #tpu.memory_space<hbm>>) target_semaphore(%run_scoped3A : memref<!tpu.dma_semaphore, #tpu.memory_space<semaphore_mem>>)
      %dma_wait3A = tpu.memref_slice %arg6[%mul3A_532] : memref<1048576xf32, #tpu.memory_space<hbm>> -> memref<32768xf32, #tpu.memory_space<hbm>>
      %dma_wait3A_534 = tpu.memref_slice %arg6[%mul3A_532] : memref<1048576xf32, #tpu.memory_space<hbm>> -> memref<32768xf32, #tpu.memory_space<hbm>>
      tpu.wait_dma2 semaphore(%run_scoped3A : memref<!tpu.dma_semaphore, #tpu.memory_space<semaphore_mem>>) src(%arg11 : memref<32768xf32, #tpu.memory_space<vmem>>) dst(%dma_wait3A_534 : memref<32768xf32, #tpu.memory_space<hbm>>)
      tpu.yield
    }) : () -> ()
    return
  }
}

module attributes {stable_mosaic.version = 14 : i64} {
  func.func @_residual_kernel(%arg0: i32, %arg1: memref<1024x2048xf32, #tpu.memory_space<vmem>>, %arg2: memref<2048x64xf32, #tpu.memory_space<vmem>>, %arg3: memref<64x1024xf32, #tpu.memory_space<vmem>>, %arg4: memref<1024x64xf32, #tpu.memory_space<vmem>>) attributes {dimension_semantics = [#tpu.dimension_semantics<arbitrary>], iteration_bounds = array<i64: 8>, scalar_prefetch = 0 : i64, scratch_operands = 0 : i64, tpu.core_type = #tpu.core_type<tc>, window_params = [{transform_indices = @transform_0, window_bounds = array<i64: 1024, 2048>}, {transform_indices = @transform_1, window_bounds = array<i64: 2048, 64>}, {pipeline_mode = #tpu.pipeline_mode<synchronous>, transform_indices = @transform_2, window_bounds = array<i64: 64, 1024>}, {pipeline_mode = #tpu.pipeline_mode<synchronous>, transform_indices = @transform_3, window_bounds = array<i64: 1024, 64>}]} {
    %get3A = arith.constant 0 : index
    %get3A_0 = arith.constant 0 : index
    %get3A_1 = vector.load %arg1[%get3A, %get3A_0] : memref<1024x2048xf32, #tpu.memory_space<vmem>>, vector<1024x2048xf32>
    %get3A_2 = arith.constant 0 : index
    %get3A_3 = arith.constant 0 : index
    %get3A_4 = vector.load %arg2[%get3A_2, %get3A_3] : memref<2048x64xf32, #tpu.memory_space<vmem>>, vector<2048x64xf32>
    %dot_general3A = arith.constant dense<0.000000e+00> : vector<1024x64xf32>
    %dot_general3A_5 = tpu.matmul %get3A_1, %get3A_4, %dot_general3A {dimension_numbers = #tpu.dot_dimension_numbers<[1], [0], [0], [1], [0, 0, 1, 1], [], []>, transpose_lhs_hint = false} : vector<1024x2048xf32>, vector<2048x64xf32>, vector<1024x64xf32> -> vector<1024x64xf32>
    %eq3A = arith.constant 0 : i32
    %eq3A_6 = arith.cmpi eq, %arg0, %eq3A : i32
    %convert_element_type3A = arith.extui %eq3A_6 : i1 to i32
    %cond3A = arith.constant 0 : i32
    %cond3A_7 = arith.cmpi ne, %convert_element_type3A, %cond3A : i32
    scf.if %cond3A_7 {
      %get3A_12 = arith.constant 0 : index
      %get3A_13 = arith.constant 0 : index
      %get3A_14 = vector.load %arg3[%get3A_12, %get3A_13] : memref<64x1024xf32, #tpu.memory_space<vmem>>, vector<64x1024xf32>
      %transpose3A = tpu.transpose %get3A_14, [1, 0] : vector<64x1024xf32> -> vector<1024x64xf32>
      %sub3A = arith.subf %transpose3A, %dot_general3A_5 : vector<1024x64xf32>
      %swap3A = arith.constant 0 : index
      %swap3A_15 = arith.constant 0 : index
      %swap3A_16 = vector.load %arg4[%swap3A, %swap3A_15] : memref<1024x64xf32, #tpu.memory_space<vmem>>, vector<1024x64xf32>
      tpu.vector_store %arg4[%swap3A, %swap3A_15], %sub3A {strides = array<i32>} : memref<1024x64xf32, #tpu.memory_space<vmem>>, vector<1024x64xf32>,
    } else {
    }
    %ne3A = arith.constant 0 : i32
    %ne3A_8 = arith.cmpi ne, %arg0, %ne3A : i32
    %convert_element_type3A_9 = arith.extui %ne3A_8 : i1 to i32
    %cond3A_10 = arith.constant 0 : i32
    %cond3A_11 = arith.cmpi ne, %convert_element_type3A_9, %cond3A_10 : i32
    scf.if %cond3A_11 {
      %get3A_12 = arith.constant 0 : index
      %get3A_13 = arith.constant 0 : index
      %get3A_14 = vector.load %arg4[%get3A_12, %get3A_13] : memref<1024x64xf32, #tpu.memory_space<vmem>>, vector<1024x64xf32>
      %sub3A = arith.subf %get3A_14, %dot_general3A_5 : vector<1024x64xf32>
      %swap3A = arith.constant 0 : index
      %swap3A_15 = arith.constant 0 : index
      %swap3A_16 = vector.load %arg4[%swap3A, %swap3A_15] : memref<1024x64xf32, #tpu.memory_space<vmem>>, vector<1024x64xf32>
      tpu.vector_store %arg4[%swap3A, %swap3A_15], %sub3A {strides = array<i32>} : memref<1024x64xf32, #tpu.memory_space<vmem>>, vector<1024x64xf32>,
    } else {
    }
    return
  }
  func.func @transform_0(%arg0: i32) -> (i32, i32) {
    %c0_i32 = arith.constant 0 : i32
    %c0_i32_0 = arith.constant 0 : i32
    return %c0_i32, %arg0 : i32, i32
  }
  func.func @transform_1(%arg0: i32) -> (i32, i32) {
    %c0_i32 = arith.constant 0 : i32
    %c0_i32_0 = arith.constant 0 : i32
    return %arg0, %c0_i32 : i32, i32
  }
  func.func @transform_2(%arg0: i32) -> (i32, i32) {
    %c0_i32 = arith.constant 0 : i32
    %c0_i32_0 = arith.constant 0 : i32
    %c0_i32_1 = arith.constant 0 : i32
    return %c0_i32, %c0_i32_0 : i32, i32
  }
  func.func @transform_3(%arg0: i32) -> (i32, i32) {
    %c0_i32 = arith.constant 0 : i32
    %c0_i32_0 = arith.constant 0 : i32
    %c0_i32_1 = arith.constant 0 : i32
    return %c0_i32, %c0_i32_0 : i32, i32
  }
}

module attributes {stable_mosaic.version = 14 : i64} {
  func.func @_corr_kernel(%arg0: i32, %arg1: memref<1024x2048xf32, #tpu.memory_space<vmem>>, %arg2: memref<1024x128xf32, #tpu.memory_space<vmem>>, %arg3: memref<1x1x64xf32, #tpu.memory_space<vmem>>, %arg4: memref<1x1x64xi32, #tpu.memory_space<vmem>>, %arg5: memref<1x1x64xf32, #tpu.memory_space<vmem>>, %arg6: memref<1x1x64xf32, #tpu.memory_space<vmem>>) attributes {dimension_semantics = [#tpu.dimension_semantics<arbitrary>], iteration_bounds = array<i64: 8>, scalar_prefetch = 0 : i64, scratch_operands = 0 : i64, tpu.core_type = #tpu.core_type<tc>, window_params = [{transform_indices = @transform_0, window_bounds = array<i64: 1024, 2048>}, {pipeline_mode = #tpu.pipeline_mode<synchronous>, transform_indices = @transform_1, window_bounds = array<i64: 1024, 128>}, {transform_indices = @transform_2, window_bounds = array<i64: 1, 1, 64>}, {transform_indices = @transform_3, window_bounds = array<i64: 1, 1, 64>}, {transform_indices = @transform_4, window_bounds = array<i64: 1, 1, 64>}, {transform_indices = @transform_5, window_bounds = array<i64: 1, 1, 64>}]} {
    %get3A = arith.constant 0 : index
    %get3A_0 = arith.constant 0 : index
    %get3A_1 = vector.load %arg1[%get3A, %get3A_0] : memref<1024x2048xf32, #tpu.memory_space<vmem>>, vector<1024x2048xf32>
    %get3A_2 = arith.constant 0 : index
    %get3A_3 = arith.constant 0 : index
    %get3A_4 = vector.load %arg2[%get3A_2, %get3A_3] : memref<1024x128xf32, #tpu.memory_space<vmem>>, vector<1024x128xf32>
    %dot_general3A = arith.constant dense<0.000000e+00> : vector<2048x128xf32>
    %dot_general3A_5 = tpu.matmul %get3A_1, %get3A_4, %dot_general3A {dimension_numbers = #tpu.dot_dimension_numbers<[0], [0], [1], [1], [0, 1, 1, 1], [], []>, transpose_lhs_hint = false} : vector<1024x2048xf32>, vector<1024x128xf32>, vector<2048x128xf32> -> vector<2048x128xf32>
    %slice3A = vector.extract_strided_slice %dot_general3A_5 {offsets = [0, 0], sizes = [2048, 64], strides = [1, 1]} : vector<2048x128xf32> to vector<2048x64xf32>
    %abs3A = math.absf %slice3A : vector<2048x64xf32>
    %slice3A_6 = vector.extract_strided_slice %dot_general3A_5 {offsets = [0, 64], sizes = [2048, 64], strides = [1, 1]} : vector<2048x128xf32> to vector<2048x64xf32>
    %reduce_max3A = arith.constant dense<0xFF800000> : vector<64xf32>
    %reduce_max3A_7 = vector.multi_reduction <maximumf>, %abs3A, %reduce_max3A [0] : vector<2048x64xf32> to vector<64xf32>
    %broadcast_in_dim3A = vector.shape_cast %reduce_max3A_7 : vector<64xf32> to vector<1x64xf32>
    %iota3A = tpu.iota {dimensions = array<i32: 0>} : vector<2048x64xi32>
    %eq3A = vector.broadcast %broadcast_in_dim3A : vector<1x64xf32> to vector<2048x64xf32>
    %eq3A_8 = arith.cmpf oeq, %abs3A, %eq3A : vector<2048x64xf32>
    %jit3A = arith.constant 2048 : i32
    %broadcast_in_dim3A_9 = vector.broadcast %jit3A : i32 to vector<2048x64xi32>
    %select_n3A = arith.select %eq3A_8, %iota3A, %broadcast_in_dim3A_9 : vector<2048x64xi1>, vector<2048x64xi32>
    %reduce_min3A = arith.constant dense<2147483647> : vector<64xi32>
    %reduce_min3A_10 = vector.multi_reduction <minsi>, %select_n3A, %reduce_min3A [0] : vector<2048x64xi32> to vector<64xi32>
    %broadcast_in_dim3A_11 = vector.shape_cast %reduce_min3A_10 : vector<64xi32> to vector<1x64xi32>
    %eq3A_12 = vector.broadcast %broadcast_in_dim3A_11 : vector<1x64xi32> to vector<2048x64xi32>
    %eq3A_13 = arith.cmpi eq, %iota3A, %eq3A_12 : vector<2048x64xi32>
    %jit3A_14 = arith.constant 0.000000e+00 : f32
    %broadcast_in_dim3A_15 = vector.broadcast %jit3A_14 : f32 to vector<2048x64xf32>
    %select_n3A_16 = arith.select %eq3A_13, %slice3A_6, %broadcast_in_dim3A_15 : vector<2048x64xi1>, vector<2048x64xf32>
    %reduce_sum3A = arith.constant dense<0.000000e+00> : vector<64xf32>
    %reduce_sum3A_17 = vector.multi_reduction <add>, %select_n3A_16, %reduce_sum3A [0] : vector<2048x64xf32> to vector<64xf32>
    %broadcast_in_dim3A_18 = vector.shape_cast %reduce_sum3A_17 : vector<64xf32> to vector<1x64xf32>
    %mul3A = arith.mulf %get3A_1, %get3A_1 : vector<1024x2048xf32>
    %reduce_sum3A_19 = arith.constant dense<0.000000e+00> : vector<2048xf32>
    %reduce_sum3A_20 = vector.multi_reduction <add>, %mul3A, %reduce_sum3A_19 [0] : vector<1024x2048xf32> to vector<2048xf32>
    %broadcast_in_dim3A_21 = vector.shape_cast %reduce_sum3A_20 : vector<2048xf32> to vector<1x2048xf32>
    %transpose3A = tpu.transpose %broadcast_in_dim3A_21, [1, 0] : vector<1x2048xf32> -> vector<2048x1xf32>
    %jit3A_22 = arith.constant 0.000000e+00 : f32
    %broadcast_in_dim3A_23 = vector.shape_cast %transpose3A : vector<2048x1xf32> to vector<2048x1xf32>
    %broadcast_in_dim3A_24 = vector.broadcast %broadcast_in_dim3A_23 : vector<2048x1xf32> to vector<2048x64xf32>
    %broadcast_in_dim3A_25 = vector.broadcast %jit3A_22 : f32 to vector<2048x64xf32>
    %select_n3A_26 = arith.select %eq3A_13, %broadcast_in_dim3A_24, %broadcast_in_dim3A_25 : vector<2048x64xi1>, vector<2048x64xf32>
    %reduce_sum3A_27 = arith.constant dense<0.000000e+00> : vector<64xf32>
    %reduce_sum3A_28 = vector.multi_reduction <add>, %select_n3A_26, %reduce_sum3A_27 [0] : vector<2048x64xf32> to vector<64xf32>
    %broadcast_in_dim3A_29 = vector.shape_cast %reduce_sum3A_28 : vector<64xf32> to vector<1x64xf32>
    %broadcast_in_dim3A_30 = vector.shape_cast %broadcast_in_dim3A : vector<1x64xf32> to vector<1x1x64xf32>
    %swap3A = arith.constant 0 : index
    %swap3A_31 = arith.constant 0 : index
    %swap3A_32 = arith.constant 0 : index
    %swap3A_33 = vector.load %arg3[%swap3A, %swap3A_31, %swap3A_32] : memref<1x1x64xf32, #tpu.memory_space<vmem>>, vector<1x1x64xf32>
    tpu.vector_store %arg3[%swap3A, %swap3A_31, %swap3A_32], %broadcast_in_dim3A_30 {strides = array<i32>} : memref<1x1x64xf32, #tpu.memory_space<vmem>>, vector<1x1x64xf32>,
    %mul3A_34 = arith.constant 2048 : i32
    %mul3A_35 = arith.muli %arg0, %mul3A_34 : i32
    %add3A = vector.broadcast %mul3A_35 : i32 to vector<1x64xi32>
    %add3A_36 = arith.addi %broadcast_in_dim3A_11, %add3A : vector<1x64xi32>
    %broadcast_in_dim3A_37 = vector.shape_cast %add3A_36 : vector<1x64xi32> to vector<1x1x64xi32>
    %swap3A_38 = arith.constant 0 : index
    %swap3A_39 = arith.constant 0 : index
    %swap3A_40 = arith.constant 0 : index
    %swap3A_41 = vector.load %arg4[%swap3A_38, %swap3A_39, %swap3A_40] : memref<1x1x64xi32, #tpu.memory_space<vmem>>, vector<1x1x64xi32>
    tpu.vector_store %arg4[%swap3A_38, %swap3A_39, %swap3A_40], %broadcast_in_dim3A_37 {strides = array<i32>} : memref<1x1x64xi32, #tpu.memory_space<vmem>>, vector<1x1x64xi32>,
    %broadcast_in_dim3A_42 = vector.shape_cast %broadcast_in_dim3A_18 : vector<1x64xf32> to vector<1x1x64xf32>
    %swap3A_43 = arith.constant 0 : index
    %swap3A_44 = arith.constant 0 : index
    %swap3A_45 = arith.constant 0 : index
    %swap3A_46 = vector.load %arg5[%swap3A_43, %swap3A_44, %swap3A_45] : memref<1x1x64xf32, #tpu.memory_space<vmem>>, vector<1x1x64xf32>
    tpu.vector_store %arg5[%swap3A_43, %swap3A_44, %swap3A_45], %broadcast_in_dim3A_42 {strides = array<i32>} : memref<1x1x64xf32, #tpu.memory_space<vmem>>, vector<1x1x64xf32>,
    %broadcast_in_dim3A_47 = vector.shape_cast %broadcast_in_dim3A_29 : vector<1x64xf32> to vector<1x1x64xf32>
    %swap3A_48 = arith.constant 0 : index
    %swap3A_49 = arith.constant 0 : index
    %swap3A_50 = arith.constant 0 : index
    %swap3A_51 = vector.load %arg6[%swap3A_48, %swap3A_49, %swap3A_50] : memref<1x1x64xf32, #tpu.memory_space<vmem>>, vector<1x1x64xf32>
    tpu.vector_store %arg6[%swap3A_48, %swap3A_49, %swap3A_50], %broadcast_in_dim3A_47 {strides = array<i32>} : memref<1x1x64xf32, #tpu.memory_space<vmem>>, vector<1x1x64xf32>,
    return
  }
  func.func @transform_0(%arg0: i32) -> (i32, i32) {
    %c0_i32 = arith.constant 0 : i32
    %c0_i32_0 = arith.constant 0 : i32
    return %c0_i32, %arg0 : i32, i32
  }
  func.func @transform_1(%arg0: i32) -> (i32, i32) {
    %c0_i32 = arith.constant 0 : i32
    %c0_i32_0 = arith.constant 0 : i32
    %c0_i32_1 = arith.constant 0 : i32
    return %c0_i32, %c0_i32_0 : i32, i32
  }
  func.func @transform_2(%arg0: i32) -> (i32, i32, i32) {
    %c0_i32 = arith.constant 0 : i32
    %c0_i32_0 = arith.constant 0 : i32
    %c0_i32_1 = arith.constant 0 : i32
    return %arg0, %c0_i32, %c0_i32_0 : i32, i32, i32
  }
  func.func @transform_3(%arg0: i32) -> (i32, i32, i32) {
    %c0_i32 = arith.constant 0 : i32
    %c0_i32_0 = arith.constant 0 : i32
    %c0_i32_1 = arith.constant 0 : i32
    return %arg0, %c0_i32, %c0_i32_0 : i32, i32, i32
  }
  func.func @transform_4(%arg0: i32) -> (i32, i32, i32) {
    %c0_i32 = arith.constant 0 : i32
    %c0_i32_0 = arith.constant 0 : i32
    %c0_i32_1 = arith.constant 0 : i32
    return %arg0, %c0_i32, %c0_i32_0 : i32, i32, i32
  }
  func.func @transform_5(%arg0: i32) -> (i32, i32, i32) {
    %c0_i32 = arith.constant 0 : i32
    %c0_i32_0 = arith.constant 0 : i32
    %c0_i32_1 = arith.constant 0 : i32
    return %arg0, %c0_i32, %c0_i32_0 : i32, i32, i32
  }
}

module attributes {stable_mosaic.version = 14 : i64} {
  func.func @_mask_kernel(%arg0: i32, %arg1: memref<8x1x64xf32, #tpu.memory_space<vmem>>, %arg2: memref<8x1x64xi32, #tpu.memory_space<vmem>>, %arg3: memref<2048x64xi32, #tpu.memory_space<vmem>>, %arg4: memref<2048x64xi32, #tpu.memory_space<vmem>>) attributes {dimension_semantics = [#tpu.dimension_semantics<arbitrary>], iteration_bounds = array<i64: 8>, scalar_prefetch = 0 : i64, scratch_operands = 0 : i64, tpu.core_type = #tpu.core_type<tc>, window_params = [{pipeline_mode = #tpu.pipeline_mode<synchronous>, transform_indices = @transform_0, window_bounds = array<i64: 8, 1, 64>}, {pipeline_mode = #tpu.pipeline_mode<synchronous>, transform_indices = @transform_1, window_bounds = array<i64: 8, 1, 64>}, {transform_indices = @transform_2, window_bounds = array<i64: 2048, 64>}, {transform_indices = @transform_3, window_bounds = array<i64: 2048, 64>}]} {
    %get3A = arith.constant 0 : index
    %get3A_0 = arith.constant 0 : index
    %get3A_1 = arith.constant 0 : index
    %get3A_2 = vector.load %arg1[%get3A, %get3A_0, %get3A_1] : memref<8x1x64xf32, #tpu.memory_space<vmem>>, vector<8x1x64xf32>
    %get3A_3 = vector.shape_cast %get3A_2 : vector<8x1x64xf32> to vector<8x64xf32>
    %reduce_max3A = arith.constant dense<0xFF800000> : vector<64xf32>
    %reduce_max3A_4 = vector.multi_reduction <maximumf>, %get3A_3, %reduce_max3A [0] : vector<8x64xf32> to vector<64xf32>
    %broadcast_in_dim3A = vector.shape_cast %reduce_max3A_4 : vector<64xf32> to vector<1x64xf32>
    %iota3A = tpu.iota {dimensions = array<i32: 0>} : vector<8x64xi32>
    %eq3A = vector.broadcast %broadcast_in_dim3A : vector<1x64xf32> to vector<8x64xf32>
    %eq3A_5 = arith.cmpf oeq, %get3A_3, %eq3A : vector<8x64xf32>
    %jit3A = arith.constant 8 : i32
    %broadcast_in_dim3A_6 = vector.broadcast %jit3A : i32 to vector<8x64xi32>
    %select_n3A = arith.select %eq3A_5, %iota3A, %broadcast_in_dim3A_6 : vector<8x64xi1>, vector<8x64xi32>
    %reduce_min3A = arith.constant dense<2147483647> : vector<64xi32>
    %reduce_min3A_7 = vector.multi_reduction <minsi>, %select_n3A, %reduce_min3A [0] : vector<8x64xi32> to vector<64xi32>
    %broadcast_in_dim3A_8 = vector.shape_cast %reduce_min3A_7 : vector<64xi32> to vector<1x64xi32>
    %eq3A_9 = vector.broadcast %broadcast_in_dim3A_8 : vector<1x64xi32> to vector<8x64xi32>
    %eq3A_10 = arith.cmpi eq, %iota3A, %eq3A_9 : vector<8x64xi32>
    %get3A_11 = arith.constant 0 : index
    %get3A_12 = arith.constant 0 : index
    %get3A_13 = arith.constant 0 : index
    %get3A_14 = vector.load %arg2[%get3A_11, %get3A_12, %get3A_13] : memref<8x1x64xi32, #tpu.memory_space<vmem>>, vector<8x1x64xi32>
    %get3A_15 = vector.shape_cast %get3A_14 : vector<8x1x64xi32> to vector<8x64xi32>
    %jit3A_16 = arith.constant 0 : i32
    %broadcast_in_dim3A_17 = vector.broadcast %jit3A_16 : i32 to vector<8x64xi32>
    %select_n3A_18 = arith.select %eq3A_10, %get3A_15, %broadcast_in_dim3A_17 : vector<8x64xi1>, vector<8x64xi32>
    %reduce_sum3A = arith.constant dense<0> : vector<64xi32>
    %reduce_sum3A_19 = vector.multi_reduction <add>, %select_n3A_18, %reduce_sum3A [0] : vector<8x64xi32> to vector<64xi32>
    %broadcast_in_dim3A_20 = vector.shape_cast %reduce_sum3A_19 : vector<64xi32> to vector<1x64xi32>
    %iota3A_21 = tpu.iota {dimensions = array<i32: 0>} : vector<2048x64xi32>
    %mul3A = arith.constant 2048 : i32
    %mul3A_22 = arith.muli %arg0, %mul3A : i32
    %add3A = vector.broadcast %mul3A_22 : i32 to vector<2048x64xi32>
    %add3A_23 = arith.addi %iota3A_21, %add3A : vector<2048x64xi32>
    %eq3A_24 = vector.broadcast %broadcast_in_dim3A_20 : vector<1x64xi32> to vector<2048x64xi32>
    %eq3A_25 = arith.cmpi eq, %add3A_23, %eq3A_24 : vector<2048x64xi32>
    %get3A_26 = arith.constant 0 : index
    %get3A_27 = arith.constant 0 : index
    %get3A_28 = vector.load %arg3[%get3A_26, %get3A_27] : memref<2048x64xi32, #tpu.memory_space<vmem>>, vector<2048x64xi32>
    %get3A_29 = arith.constant dense<0> : vector<2048x64xi32>
    %get3A_30 = arith.cmpi ne, %get3A_28, %get3A_29 : vector<2048x64xi32>
    %or3A = arith.ori %eq3A_25, %get3A_30 : vector<2048x64xi1>
    %swap3A = arith.constant 0 : index
    %swap3A_31 = arith.constant 0 : index
    %swap3A_32 = vector.load %arg4[%swap3A, %swap3A_31] : memref<2048x64xi32, #tpu.memory_space<vmem>>, vector<2048x64xi32>
    %swap3A_33 = arith.extui %or3A : vector<2048x64xi1> to vector<2048x64xi32>
    %swap3A_34 = arith.constant dense<0> : vector<2048x64xi32>
    %swap3A_35 = arith.cmpi ne, %swap3A_32, %swap3A_34 : vector<2048x64xi32>
    tpu.vector_store %arg4[%swap3A, %swap3A_31], %swap3A_33 {strides = array<i32>} : memref<2048x64xi32, #tpu.memory_space<vmem>>, vector<2048x64xi32>,
    return
  }
  func.func @transform_0(%arg0: i32) -> (i32, i32, i32) {
    %c0_i32 = arith.constant 0 : i32
    %c0_i32_0 = arith.constant 0 : i32
    %c0_i32_1 = arith.constant 0 : i32
    %c0_i32_2 = arith.constant 0 : i32
    return %c0_i32, %c0_i32_0, %c0_i32_1 : i32, i32, i32
  }
  func.func @transform_1(%arg0: i32) -> (i32, i32, i32) {
    %c0_i32 = arith.constant 0 : i32
    %c0_i32_0 = arith.constant 0 : i32
    %c0_i32_1 = arith.constant 0 : i32
    %c0_i32_2 = arith.constant 0 : i32
    return %c0_i32, %c0_i32_0, %c0_i32_1 : i32, i32, i32
  }
  func.func @transform_2(%arg0: i32) -> (i32, i32) {
    %c0_i32 = arith.constant 0 : i32
    %c0_i32_0 = arith.constant 0 : i32
    return %arg0, %c0_i32 : i32, i32
  }
  func.func @transform_3(%arg0: i32) -> (i32, i32) {
    %c0_i32 = arith.constant 0 : i32
    %c0_i32_0 = arith.constant 0 : i32
    return %arg0, %c0_i32 : i32, i32
  }
}

</mosaic_0001>

<sc_bundles>
// kernel: kernel.6.cloned.1.call-start
scs
__scs_entry_jumppad:
0x0: {  	(pc) =	sbr.rel $0x88, $3  }
0x1: {  	(tag) =	ssettag $0x0;
	lr =	simm.s32 $0x1  }
0x2: {  	[smem:$0x3F9D] =	sst lr;
	_ =	strace $0xD0000000  }
0x3: {  	_ = 	snop  }
0x4: {  	_ = 	snop  }
0x5: {  	_ = 	snop  }
0x6: {  	_ = 	snop  }
0x7: {  	_ = 	snop  }
__scs_overlays_trampoline_lowered:
0x8: {  	[smem:$0x3FAC] =	sst s0  }
0x9: {  	[smem:$0x3FAD] =	sst s1  }
0xa: {  	[smem:$0x3FAE] =	sst s2  }
0xb: {  	[smem:$0x3FAF] =	sst s3  }
0xc: {  	[smem:$0x3FB0] =	sst s4  }
0xd: {  	[smem:$0x3FB1] =	sst s5  }
0xe: {  	[smem:$0x3FB2] =	sst s6  }
0xf: {  	[smem:$0x3FB3] =	sst s7  }
0x10: {  	[smem:$0x3FB4] =	sst s8  }
0x11: {  	[smem:$0x3FB5] =	sst s9;
	s0 =	simm.s32 @!p0 $0x0  }
0x12: {  	s1 =	sld [smem:$0x3F9B];
	s0 =	simm.s32 @p0 $0x1  }
0x13: {  	[smem:$0x3FB6] =	sst s0;
	s0 =	simm.s32 @!p1 $0x0  }
0x14: {  	s2 =	sld [smem:$0x3F9A];
	s0 =	simm.s32 @p1 $0x1  }
0x15: {  	[smem:$0x3FB7] =	sst s0;
	s0 =	simm.s32 @!p2 $0x0  }
0x16: {  	s3 =	sld [smem:$0x3FDB];
	s0 =	simm.s32 @p2 $0x1  }
0x17: {  	s4 =	simm.s32 $0x1BF5;
	[smem:$0x3FB9] =	sst s0  }
0x18: {  	s0 =	sld [smem:$0x3F9C];
	_ =	swait.ge [sflag:s4], $0x0  }
0x19: {  	s7 =	sld [smem:$0x3F9D]  }
0x1a: {  	s8 =	sadd.s32 $0xFFFFE003, lr  }
0x1b: {  	s9 =	sadd.s32 $0xFFFFFEF7, lr;
	s5 =	simm.s32 $0xFFFFFFFF;
	p2 =	slt.u32 s8, $0xFFFFF086  }
0x1c: {  	p1 =	slt.u32 s9, $0xF7A;
	s5 =	simm.s32 @!p2 $0x0  }
0x1d: {  	s5 =	simm.s32 @p1 $0x1;
	p0 =	seq.s32 s7, s2  }
0x1e: {  	s7 =	smul.u32 @!p0 $0xF7A, s2;
	p2 =	seq.s32 @!p0 s5, $0x0  }
0x1f: {  	s9 =	smul.u32 $0xF7A, s1;
	s8 =	simm.s32 @!p0 $0x1BF5;
	p2 =	por !p2, p0  }
0x20: {  	[sflag:s8] =	ssyncset.s32 @!p0 $0xFFFFF086;
	s6 =	sadd.s32 @!p0 s3, s7;
	s7 =	simm.s32 @!p0 $0x108  }
0x21: {  	s3 =	sadd.s32 s3, s9;
	s6 =	sadd.s32 @!p0 $0x88, s6;
	s7 =	simm.s32 @p2 $0x1082  }
0x22: {  	[simem:s7], [sflag:s8] =	dma.local @!p0 [hbm:s6], $0xF7A  }
0x23: {  	s9 =	sor.u32 $0xD0000000, s2;
	s6 =	simm.s32 $0x108;
	_ =	swait.ge @!p0 [sflag:s8], $0x0  }
0x24: {  	s3 =	sadd.s32 $0x88, s3;
	s6 =	simm.s32 @!p1 $0x1082;
	[sflag:s4] =	ssyncset.s32 $0xFFFFF086  }
0x25: {  	[simem:s6], [sflag:s4] =	dma.local [hbm:s3], $0xF7A  }
0x26: {  	[smem:$0x3F9D] =	sst s1;
	(tag) =	ssettag s2;
	_ =	strace s9  }
0x27: {  	s1 =	sld [smem:$0x3FAD]  }
0x28: {  	s2 =	sld [smem:$0x3FAE]  }
0x29: {  	s4 =	sld [smem:$0x3FB0]  }
0x2a: {  	p0 =	seq.s32 s5, $0x0;
	s5 =	sld [smem:$0x3FB1]  }
0x2b: {  	s6 =	sld [smem:$0x3FB2]  }
0x2c: {  	s7 =	sld [smem:$0x3FB3]  }
0x2d: {  	s3 =	simm.s32 $0x108;
	s8 =	sld [smem:$0x3FB4]  }
0x2e: {  	s3 =	simm.s32 @!p0 $0x1082;
	s9 =	sld [smem:$0x3FB5]  }
0x2f: {  	lr =	sadd.s32 s0, s3;
	s0 =	sld [smem:$0x3FAC]  }
0x30: {  	s3 =	sld [smem:$0x3FAF]  }
0x31: {  	[smem:$0x3FB8] =	sst s10  }
0x32: {  	s10 =	sld [smem:$0x3FB6];
	_ =	sdelay $0x3  }
0x33: {  	p0 =	seq.s32 s10, $0x1;
	s10 =	sld [smem:$0x3FB8];
	_ =	sdelay $0x3  }
0x34: {  	[smem:$0x3FB8] =	sst s10  }
0x35: {  	s10 =	sld [smem:$0x3FB7];
	_ =	sdelay $0x3  }
0x36: {  	p1 =	seq.s32 s10, $0x1;
	s10 =	sld [smem:$0x3FB8];
	_ =	sdelay $0x3  }
0x37: {  	[smem:$0x3FB8] =	sst s10  }
0x38: {  	s10 =	sld [smem:$0x3FB9]  }
0x39: {  	_ = 	snop;
	(pc) =	sbr.ind lr, $3  }
0x3a: {  	_ = 	snop  }
0x3b: {  	_ = 	snop  }
0x3c: {  	p2 =	seq.s32 s10, $0x1;
	s10 =	sld [smem:$0x3FB8]  }
0x3d: {  	_ =	shalt  }
0x3e: {  	_ =	shalt  }
0x3f: {  	_ =	shalt  }
0x40: {  	_ =	shalt  }
0x41: {  	_ =	shalt  }
0x42: {  	_ =	shalt  }
0x43: {  	_ =	shalt  }
0x44: {  	_ =	shalt  }
0x45: {  	_ =	shalt  }
0x46: {  	_ =	shalt  }
0x47: {  	_ =	shalt  }
0x48: {  	_ =	shalt  }
0x49: {  	_ =	shalt  }
0x4a: {  	_ =	shalt  }
0x4b: {  	_ =	shalt  }
0x4c: {  	_ =	shalt  }
0x4d: {  	_ =	shalt  }
0x4e: {  	_ =	shalt  }
0x4f: {  	_ =	shalt  }
0x50: {  	_ =	shalt  }
0x51: {  	_ =	shalt  }
0x52: {  	_ =	shalt  }
0x53: {  	_ =	shalt  }
0x54: {  	_ =	shalt  }
0x55: {  	_ =	shalt  }
0x56: {  	_ =	shalt  }
0x57: {  	_ =	shalt  }
0x58: {  	_ =	shalt  }
0x59: {  	_ =	shalt  }
0x5a: {  	_ =	shalt  }
0x5b: {  	_ =	shalt  }
0x5c: {  	_ =	shalt  }
0x5d: {  	_ =	shalt  }
0x5e: {  	_ =	shalt  }
0x5f: {  	_ =	shalt  }
0x60: {  	_ =	shalt  }
0x61: {  	_ =	shalt  }
0x62: {  	_ =	shalt  }
0x63: {  	_ =	shalt  }
0x64: {  	_ =	shalt  }
0x65: {  	_ =	shalt  }
0x66: {  	_ =	shalt  }
0x67: {  	_ =	shalt  }
0x68: {  	_ =	shalt  }
0x69: {  	_ =	shalt  }
0x6a: {  	_ =	shalt  }
0x6b: {  	_ =	shalt  }
0x6c: {  	_ =	shalt  }
0x6d: {  	_ =	shalt  }
0x6e: {  	_ =	shalt  }
0x6f: {  	_ =	shalt  }
0x70: {  	_ =	shalt  }
0x71: {  	_ =	shalt  }
0x72: {  	_ =	shalt  }
0x73: {  	_ =	shalt  }
0x74: {  	_ =	shalt  }
0x75: {  	_ =	shalt  }
0x76: {  	_ =	shalt  }
0x77: {  	_ =	shalt  }
0x78: {  	_ =	shalt  }
0x79: {  	_ =	shalt  }
0x7a: {  	_ =	shalt  }
0x7b: {  	_ =	shalt  }
0x7c: {  	_ =	shalt  }
0x7d: {  	_ =	shalt  }
0x7e: {  	_ =	shalt  }
0x7f: {  	_ =	shalt  }
0x80: {  	_ =	shalt  }
0x81: {  	_ =	shalt  }
0x82: {  	_ =	shalt  }
0x83: {  	_ =	shalt  }
0x84: {  	_ =	shalt  }
0x85: {  	_ =	shalt  }
0x86: {  	_ =	shalt  }
0x87: {  	_ =	shalt  }
.Lfunc_end0:
.L_simem_size_0:
called_computation_lowered:
.L_overlay_start_0:
0x88: {  	s2 =	sld [smem:$0x3FD9]  }
0x89: {  	s3 =	sld [smem:$0x3FFE];
	_ =	sdelay $0x1  }
0x8a: {  	s1 =	srdreg.scid  }
0x8b: {  	s0 =	sand.u32 $0x1, s1  }
0x8c: {  	s14 =	sshll.u32 s0, $0xA;
	s2 =	sadd.s32 s3, s2  }
0x8d: {  	s2 =	sadd.s32 s2, s14  }
0x8e: {  	[smem:$0x3FC4] =	sst s2  }
0x8f: {  	_ = 	snop  }
0x90: {  	s2 =	sld [smem:$0x3FD0];
	_ =	sdelay $0x2  }
0x91: {  	s15 =	simm.s32 $0xA;
	s4 =	simm.s32 $0x10  }
0x92: {  	[smem:s4], [sflag:s15] =	dma.local [hbm:s2], $0x1  }
0x93: {  	_ =	swait.eq [sflag:s15], $0x1  }
0x94: {  	[sflag:s15] =	ssyncset.done $0x0  }
0x95: {  	[sflag:s15] =	ssyncadd.s32 $0xFFFFFFFF  }
0x96: {  	s16 =	sld [smem:$0x10];
	(tm) =	ssettm $0x1  }
0x97: {  	s17 =	sld [smem:$0x3FFB];
	_ =	sdelay $0x3  }
0x98: {  	_ =	strace s17  }
0x99: {  	s3 =	sld [smem:$0x3FFC];
	_ =	sdelay $0x3  }
0x9a: {  	_ =	strace s3  }
0x9b: {  	s3 =	sld [smem:$0x3FFD];
	_ =	sdelay $0x3  }
0x9c: {  	_ =	strace s3  }
0x9d: {  	_ =	strace $0x8FFFFFFF  }
0x9e: {  	s18 =	sld [smem:$0x3FDB];
	_ =	sdelay $0x1  }
0x9f: {  	s19 =	simm.s32 $_scs_section_size  }
0xa0: {  	s5 =	simm.s32 $_size__tile_overlayer_lowered;
	s6 =	simm.s32 $_tile_overlayer_lowered  }
0xa1: {  	s22 =	simm.s32 $0x1BFF;
	s21 =	sshll.u32 s6, $0x1;
	s3 =	sadd.s32 s19, s18  }
0xa2: {  	s7 =	simm.s32 $0x0;
	s20 =	sshll.u32 s5, $0x1;
	s5 =	sadd.s32 s21, s3  }
0xa3: {  	[timem:s7], [sflag:s22] =	dma.local [hbm:s5], s20  }
0xa4: {  	_ =	swait.ge [sflag:s22], s20  }
0xa5: {  	s4 =	ssub.s32 $0x0, s20;
	[sflag:s22] =	ssyncset.done $0x0  }
0xa6: {  	[sflag:s22] =	ssyncadd.s32 s4;
	_ =	sdelay $0x1  }
0xa7: {  	s23 =	simm.s32 $0x1B8B  }
0xa8: {  	_ =	swait.ge [sflag:s23], $0x1  }
0xa9: {  	[sflag:s23] =	ssyncset.done $0x0  }
0xaa: {  	s25 =	simm.s32 $0x1B8E;
	s24 =	sld [smem:$0x3FFE];
	[sflag:s23] =	ssyncadd.s32 $0xFFFFFFFF  }
0xab: {  	s26 =	simm.s32 $execute0_lowered;
	[smem:$0x3FD2] =	sst s25  }
0xac: {  	s5 =	sshll.u32 s26, $0x1;
	_ =	strace $0x80000046;
	[dreg:$0x1] =	wrdreg $0xFFFFFFFF  }
0xad: {  	s28 =	simm.s32 $_size_execute0_lowered;
	s3 =	sadd.s32 s3, s5;
	[dreg:$0x0] =	wrdreg $0x0  }
0xae: {  	s5 =	sshll.u32 s28, $0x1;
	[dreg:$0x2] =	wrdreg s3  }
0xaf: {  	[dreg:$0x3] =	wrdreg s5  }
0xb0: {  	[dreg:$0x4] =	wrdreg $0xC0  }
0xb1: {  	_ =	task [dreg:s7], $0x5FFFF  }
0xb2: {  	[dreg:$0x1] =	wrdreg $0xFFFFFFFF  }
0xb3: {  	[dreg:$0x0] =	wrdreg $0x60  }
0xb4: {  	[dreg:$0x2] =	wrdreg s24  }
0xb5: {  	[dreg:$0x3] =	wrdreg s16  }
0xb6: {  	[dreg:$0x4] =	wrdreg $0x9  }
0xb7: {  	_ =	task.clear_ibuf [dreg:s7], $0x5FFFF;
	_ =	strace $0x90000046  }
0xb8: {  	s29 =	simm.s32 $0x9;
	_ =	strace $0x80000048  }
0xb9: {  	_ =	swait.ge [sflag:s29], $0x1  }
0xba: {  	[sflag:s29] =	ssyncadd.s32 $0xFFFFFFFF  }
0xbb: {  	_ =	strace $0x90000048  }
0xbc: {  	_ =	sfence  }
0xbd: {  	s30 =	sld [smem:$0x0];
	_ =	sdelay $0x2  }
0xbe: {  	s31 =	sshll.u32 s1, $0xD;
	s1 =	sshrl.u32 s1, $0x2  }
0xbf: {  	s3 =	sand.u32 $0x4000, s31;
	s1 =	sadd.s32 s1, s30  }
0xc0: {  	s0 =	sor.u32 s3, s0;
	s1 =	sshll.u32 s1, $0x11  }
0xc1: {  	s0 =	sor.u32 s1, s0  }
0xc2: {  	s0 =	sadd.s32 $0x8F2B, s0  }
0xc3: {  	[sflag:s0] =	ssyncadd.remote.s32 $0x1  }
0xc4: {  	_ =	sfence.sel $0xFFFF  }
0xc5: {  	[dreg:$0x0] =	wrdreg $0xFFFFFFFF;
	(pc) =	sbr.abs _section_cstart, $3  }
0xc6: {  	[dreg:$0x1] =	wrdreg $0xFFFFFFFF  }
0xc7: {  	_ =	task.clear_ibuf [dreg:s7], $0x2FFFF;
	_ =	strace $0x9FFFFFFF  }
0xc8: {  	(tm) =	ssettm $0x7FFFFFFF  }
0xc9: {  	_ =	shalt  }
tec
execute0_lowered:
.L_overlay_start_1:
0x0: {  	(tag) =	ssettag $0x1  }
0x1: {  	s1 =	rddreg [dreg:$0x0]  }
0x2: {  	s7 =	rddreg [dreg:$0x1]  }
0x3: {  	s0 =	rddreg [dreg:$0x2];
	s2 =	simm.s32 $0x0;
	s3 =	srdreg.scid  }
0x4: {  	s13 =	simm.s32 $0x600;
	s14 =	simm.s32 $0x800;
	s15 =	simm.s32 $0x0  }
0x5: {  	[smem:$0x7FF] =	sst s2;
	s8 =	sand.u32 $0x1, s3;
	s4 =	sadd.s32 $0x600, s1  }
0x6: {  	s5 =	sadd.s32 $0x200, s1;
	s6 =	sadd.s32 $0x400, s1;
	s3 =	stileid.u32  }
0x7: {  	_ =	strace $0x80000047;
	s9 =	ssub.s32 $0x2, s8;
	s30 =	sshll.u32 s3, $0xD  }
0x8: {  	s11 =	sshll.u32 s8, $0xC;
	s31 =	sshll.u32 s3, $0xA;
	s10 =	sshrl.u32 s9, $0x1  }
0x9: {  	s12 =	sshll.u32 s8, $0x9;
	s9 =	ssub.s32 s9, s10;
	s10 =	sor.u32 s11, s30  }
0xa: {  	s11 =	simm.s32 $0x200;
	s7 =	sadd.s32 s7, s10;
	s8 =	smax.u32 s9, $0x1  }
0xb: {  	s9 =	sor.u32 s12, s31;
	s10 =	simm.s32 $0x1;
	s12 =	simm.s32 $0x400  }
.LBB2_1:
0xc: {  	[tilespmem:s2], [sflag:$0x1] =	stream.linear.gather [hbm4b:s4+s2], $0x200, $0x38;
	[tilespmem:$0x8800] =	vst v63  }
0xd: {  	_ =	swait.ge [sflag:s10], $0x200  }
0xe: {  	[sflag:s10] =	ssyncset.done $0x0  }
0xf: {  	[sflag:s10] =	ssyncadd.s32 $0xFFFFFE00  }
0x10: {  	[tilespmem:s11], [sflag:$0x1] =	stream.linear.gather [hbm4b:s5+s2], $0x200, $0x38;
	[tilespmem:$0x8800] =	vst v63  }
0x11: {  	_ =	swait.ge [sflag:s10], $0x200  }
0x12: {  	[sflag:s10] =	ssyncset.done $0x0  }
0x13: {  	[sflag:s10] =	ssyncadd.s32 $0xFFFFFE00  }
0x14: {  	[tilespmem:s12], [sflag:$0x1] =	stream.linear.gather [hbm4b:s1+s2], $0x200, $0x38;
	[tilespmem:$0x8800] =	vst v63  }
0x15: {  	_ =	swait.ge [sflag:s10], $0x200  }
0x16: {  	[sflag:s10] =	ssyncset.done $0x0  }
0x17: {  	[sflag:s10] =	ssyncadd.s32 $0xFFFFFE00  }
0x18: {  	[tilespmem:s13], [sflag:$0x1] =	stream.linear.gather [hbm4b:s6+s2], $0x200, $0x38;
	[tilespmem:$0x8800] =	vst v63  }
0x19: {  	_ =	swait.ge [sflag:s10], $0x200  }
0x1a: {  	[sflag:s10] =	ssyncset.done $0x0  }
0x1b: {  	[sflag:s10] =	ssyncadd.s32 $0xFFFFFE00  }
0x1c: {  	v18 =	vld [tilespmem:$0x0]  }
0x1d: {  	v20 =	vld [tilespmem:$0x200]  }
0x1e: {  	v40 =	vld [tilespmem:$0x400]  }
0x1f: {  	v41 =	vld [tilespmem:$0x600]  }
0x20: {  	v8 =	vld [tilespmem:$0x40]  }
0x21: {  	v42 =	vld [tilespmem:$0x240]  }
0x22: {  	v43 =	vld [tilespmem:$0x440]  }
0x23: {  	v44 =	vld [tilespmem:$0x640]  }
0x24: {  	v19 =	vld [tilespmem:$0x80]  }
0x25: {  	v0 =	vld [tilespmem:$0x580]  }
0x26: {  	v45 =	vld [tilespmem:$0x280]  }
0x27: {  	v46 =	vld [tilespmem:$0x480]  }
0x28: {  	v47 =	vld [tilespmem:$0x680]  }
0x29: {  	v12 =	vld [tilespmem:$0xC0]  }
0x2a: {  	[tilespmem:$0x1FEC0] =	vst v0;
	v0 =	vld [tilespmem:$0x2D0]  }
0x2b: {  	v48 =	vld [tilespmem:$0x2C0]  }
0x2c: {  	v49 =	vld [tilespmem:$0x4C0]  }
0x2d: {  	v50 =	vld [tilespmem:$0x6C0]  }
0x2e: {  	v51 =	vld [tilespmem:$0x100]  }
0x2f: {  	[tilespmem:$0x1FED0] =	vst v0;
	v0 =	vld [tilespmem:$0x4D0]  }
0x30: {  	v52 =	vld [tilespmem:$0x300]  }
0x31: {  	v53 =	vld [tilespmem:$0x500]  }
0x32: {  	v54 =	vld [tilespmem:$0x700]  }
0x33: {  	v55 =	vld [tilespmem:$0x140]  }
0x34: {  	[tilespmem:$0x1FEE0] =	vst v0;
	v0 =	vld [tilespmem:$0x310]  }
0x35: {  	v35 =	vld [tilespmem:$0x340]  }
0x36: {  	v36 =	vld [tilespmem:$0x540]  }
0x37: {  	v31 =	vld [tilespmem:$0x740]  }
0x38: {  	v56 =	vld [tilespmem:$0x180]  }
0x39: {  	[tilespmem:$0x1FEF0] =	vst v0;
	v0 =	vld [tilespmem:$0x510]  }
0x3a: {  	v32 =	vld [tilespmem:$0x380]  }
0x3b: {  	v25 =	vld [tilespmem:$0x780]  }
0x3c: {  	v57 =	vld [tilespmem:$0x1C0]  }
0x3d: {  	v33 =	vld [tilespmem:$0x3C0]  }
0x3e: {  	[tilespmem:$0x1FF00] =	vst v0;
	v0 =	vld [tilespmem:$0x350]  }
0x3f: {  	v26 =	vld [tilespmem:$0x5C0]  }
0x40: {  	v27 =	vld [tilespmem:$0x7C0]  }
0x41: {  	v58 =	vld [tilespmem:$0x10]  }
0x42: {  	v34 =	vld [tilespmem:$0x210]  }
0x43: {  	[tilespmem:$0x1FF10] =	vst v0;
	v0 =	vld [tilespmem:$0x550]  }
0x44: {  	v28 =	vld [tilespmem:$0x410]  }
0x45: {  	v29 =	vld [tilespmem:$0x610]  }
0x46: {  	v59 =	vld [tilespmem:$0x50]  }
0x47: {  	v60 =	vld [tilespmem:$0x250]  }
0x48: {  	[tilespmem:$0x1FF20] =	vst v0;
	v0 =	vld [tilespmem:$0x390]  }
0x49: {  	v61 =	vld [tilespmem:$0x450]  }
0x4a: {  	v62 =	vld [tilespmem:$0x650]  }
0x4b: {  	v63 =	vld [tilespmem:$0x90]  }
0x4c: {  	v37 =	vld [tilespmem:$0x290]  }
0x4d: {  	[tilespmem:$0x1FF70] =	vst v0;
	v0 =	vld [tilespmem:$0x590]  }
0x4e: {  	v30 =	vld [tilespmem:$0x490]  }
0x4f: {  	v24 =	vld [tilespmem:$0x690]  }
0x50: {  	v5 =	vld [tilespmem:$0xD0]  }
0x51: {  	v22 =	vld [tilespmem:$0x6D0]  }
0x52: {  	[tilespmem:$0x1FF90] =	vst v0;
	v0 =	vld [tilespmem:$0x3D0]  }
0x53: {  	v7 =	vld [tilespmem:$0x110]  }
0x54: {  	v21 =	vld [tilespmem:$0x710]  }
0x55: {  	v9 =	vld [tilespmem:$0x150]  }
0x56: {  	v23 =	vld [tilespmem:$0x750]  }
0x57: {  	[tilespmem:$0x1FFD0] =	vst v0;
	v0 =	vld [tilespmem:$0x220]  }
0x58: {  	v11 =	vld [tilespmem:$0x190]  }
0x59: {  	v17 =	vld [tilespmem:$0x790]  }
0x5a: {  	v13 =	vld [tilespmem:$0x1D0]  }
0x5b: {  	v38 =	vld [tilespmem:$0x7D0]  }
0x5c: {  	[tilespmem:$0x1FF30] =	vst v0;
	v0 =	vld [tilespmem:$0x420]  }
0x5d: {  	v6 =	vld [tilespmem:$0x20]  }
0x5e: {  	v39 =	vld [tilespmem:$0x620]  }
0x5f: {  	v10 =	vld [tilespmem:$0x60]  }
0x60: {  	v16 =	vld [tilespmem:$0x660]  }
0x61: {  	[tilespmem:$0x1FF50] =	vst v0;
	v0 =	vld [tilespmem:$0x260]  }
0x62: {  	v1 =	vld [tilespmem:$0xA0]  }
0x63: {  	v15 =	vld [tilespmem:$0x6A0]  }
0x64: {  	v2 =	vld [tilespmem:$0xE0]  }
0x65: {  	v14 =	vld [tilespmem:$0x6E0]  }
0x66: {  	[tilespmem:$0x1FF40] =	vst v0;
	v0 =	vld [tilespmem:$0x460]  }
0x67: {  	v3 =	vld [tilespmem:$0x120]  }
0x68: {  	v4 =	vld [tilespmem:$0x160];
	vm4 =	vgt.f32 v8, v18  }
0x69: {  	vm10 =	vgt.f32 v59, v58;
	vm1 =	vgt.f32 v10, v6;
	v8 =	vsel vm4, v8, v18;
	v18 =	vld [tilespmem:$0x520]  }
0x6a: {  	v58 =	vsel vm10, v59, v58;
	v6 =	vsel vm1, v10, v6;
	v10 =	vld [tilespmem:$0x1E0]  }
0x6b: {  	vm11 =	vgt.f32 v63, v58;
	[tilespmem:$0x1FF60] =	vst v0;
	v0 =	vld [tilespmem:$0x2A0]  }
0x6c: {  	v59 =	vsel vm10, v60, v34;
	v60 =	vld [tilespmem:$0x6B0];
	v63 =	vsel vm11, v63, v58  }
0x6d: {  	v40 =	vsel vm4, v43, v40;
	v43 =	vld [tilespmem:$0x7F0];
	vm12 =	vgt.f32 v5, v63  }
0x6e: {  	v41 =	vsel vm4, v44, v41;
	v44 =	vld [tilespmem:$0x2F0];
	vm2 =	vgt.f32 v19, v8;
	v5 =	vsel vm12, v5, v63  }
0x6f: {  	v8 =	vsel vm2, v19, v8;
	v19 =	vld [tilespmem:$0x320];
	vm13 =	vgt.f32 v7, v5  }
0x70: {  	v5 =	vsel vm13, v7, v5;
	[tilespmem:$0x1FF80] =	vst v0;
	v0 =	vld [tilespmem:$0x4A0]  }
0x71: {  	v58 =	vld [tilespmem:$0x670];
	vm0 =	vgt.f32 v12, v8;
	vm8 =	vgt.f32 v9, v5  }
0x72: {  	v8 =	vsel vm0, v12, v8;
	v12 =	vld [tilespmem:$0x720];
	v5 =	vsel vm8, v9, v5  }
0x73: {  	v7 =	vld [tilespmem:$0x30];
	vm9 =	vgt.f32 v11, v5  }
0x74: {  	v5 =	vsel vm9, v11, v5;
	v11 =	vld [tilespmem:$0x70]  }
0x75: {  	v41 =	vsel vm2, v47, v41;
	[tilespmem:$0x1FFA0] =	vst v0;
	v0 =	vld [tilespmem:$0x2E0]  }
0x76: {  	v41 =	vsel vm0, v50, v41;
	v63 =	vld [tilespmem:$0x6F0];
	vm3 =	vgt.f32 v51, v8  }
0x77: {  	v54 =	vsel vm3, v54, v41;
	v41 =	vld [tilespmem:$0x7B0]  }
0x78: {  	v9 =	vld [tilespmem:$0x430]  }
0x79: {  	v34 =	vld [tilespmem:$0x1FEF0]  }
0x7a: {  	v61 =	vsel vm10, v61, v28;
	v62 =	vsel vm10, v62, v29;
	vm10 =	vgt.f32 v11, v7;
	[tilespmem:$0x1FFB0] =	vst v0;
	v0 =	vld [tilespmem:$0x4E0]  }
0x7b: {  	v40 =	vsel vm2, v46, v40;
	v7 =	vsel vm10, v11, v7;
	v11 =	vld [tilespmem:$0x130]  }
0x7c: {  	v40 =	vsel vm0, v49, v40;
	v49 =	vld [tilespmem:$0x1FF70]  }
0x7d: {  	v47 =	vld [tilespmem:$0x1FF50]  }
0x7e: {  	v46 =	vld [tilespmem:$0x1FF40]  }
0x7f: {  	[tilespmem:$0x1FFC0] =	vst v0;
	v0 =	vsel vm3, v51, v8;
	v8 =	vld [tilespmem:$0x560]  }
0x80: {  	v50 =	vld [tilespmem:$0x1FF80];
	vm5 =	vgt.f32 v55, v0  }
0x81: {  	v51 =	vld [tilespmem:$0x360];
	v0 =	vsel vm5, v55, v0  }
0x82: {  	v55 =	vld [tilespmem:$0x1A0];
	vm14 =	vgt.f32 v56, v0  }
0x83: {  	v0 =	vsel vm14, v56, v0;
	v56 =	vld [tilespmem:$0x3A0]  }
0x84: {  	[tilespmem:$0x1FFF0] =	vst v8;
	v8 =	vld [tilespmem:$0x760]  }
0x85: {  	vm15 =	vgt.f32 v57, v0;
	v57 =	vld [tilespmem:$0x5A0]  }
0x86: {  	v0 =	vsel vm4, v42, v20;
	v42 =	vld [tilespmem:$0x7A0];
	vm4 =	vgt.f32 v1, v6  }
0x87: {  	v20 =	vld [tilespmem:$0x3E0];
	v1 =	vsel vm4, v1, v6  }
0x88: {  	v0 =	vsel vm2, v45, v0;
	v6 =	vld [tilespmem:$0x7E0];
	vm6 =	vgt.f32 v2, v1  }
0x89: {  	v45 =	vld [tilespmem:$0x1FF30];
	v0 =	vsel vm0, v48, v0;
	v1 =	vsel vm6, v2, v1  }
0x8a: {  	vm0 =	vgt.f32 v13, v5;
	v13 =	vsel vm5, v31, v54;
	v31 =	vld [tilespmem:$0x1FED0];
	vm7 =	vgt.f32 v3, v1  }
0x8b: {  	v48 =	vld [tilespmem:$0x1FF60];
	v1 =	vsel vm7, v3, v1  }
0x8c: {  	v5 =	vimm.s32 $0x0;
	v54 =	vld [tilespmem:$0x1FFA0];
	vm2 =	vgt.f32 v4, v1  }
0x8d: {  	v2 =	vld [tilespmem:$0x230];
	v5 =	vsel vm0, $0xFFFFFFFF, v5;
	v1 =	vsel vm2, v4, v1  }
0x8e: {  	v0 =	vsel vm3, v52, v0;
	v52 =	vld [tilespmem:$0x570];
	[tilespmem:$0x1FFE0] =	vst v5;
	v5 =	vsel vm3, v53, v40;
	vm3 =	vgt.f32 v55, v1  }
0x8f: {  	v40 =	vld [tilespmem:$0x470];
	v1 =	vsel vm3, v55, v1  }
0x90: {  	v0 =	vsel vm5, v35, v0;
	v5 =	vsel vm5, v36, v5;
	vm5 =	vgt.f32 v10, v1;
	v10 =	vld [tilespmem:$0x1FEC0]  }
0x91: {  	v3 =	vld [tilespmem:$0x630]  }
0x92: {  	v0 =	vsel vm14, v32, v0;
	v32 =	vld [tilespmem:$0x730]  }
0x93: {  	v36 =	vld [tilespmem:$0x770]  }
0x94: {  	v16 =	vsel vm1, v16, v39;
	v0 =	vsel vm15, v33, v0;
	v33 =	vld [tilespmem:$0x1FEE0]  }
0x95: {  	v15 =	vsel vm4, v15, v16;
	v1 =	vld [tilespmem:$0xB0];
	v5 =	vsel vm14, v10, v5;
	v10 =	vsel vm14, v25, v13  }
0x96: {  	v14 =	vsel vm6, v14, v15;
	v4 =	vld [tilespmem:$0x270];
	v10 =	vsel vm15, v27, v10  }
0x97: {  	v12 =	vsel vm7, v12, v14;
	(erf) = vrcp.f32 v10;
	v10 =	vld [tilespmem:$0xF0]  }
0x98: {  	v24 =	vsel vm11, v24, v62;
	v8 =	vsel vm2, v8, v12;
	v55 =	vld [tilespmem:$0x1FFB0]  }
0x99: {  	v22 =	vsel vm12, v22, v24;
	v8 =	vsel vm3, v42, v8;
	v25 =	vsel vm11, v37, v59;
	v37 =	vld [tilespmem:$0x1FF00]  }
0x9a: {  	v3 =	vsel vm10, v58, v3;
	v58 =	vld [tilespmem:$0x3B0];
	v27 =	vsel vm11, v30, v61;
	vm11 =	vgt.f32 v1, v7  }
0x9b: {  	v21 =	vsel vm13, v21, v22;
	v6 =	vsel vm5, v6, v8;
	v1 =	vsel vm11, v1, v7;
	v7 =	vld [tilespmem:$0x170]  }
0x9c: {  	v8 =	vld [tilespmem:$0x330];
	v24 =	vsel vm12, v31, v25;
	v25 =	vsel vm12, v33, v27;
	vm12 =	vgt.f32 v10, v1  }
0x9d: {  	v21 =	vsel vm8, v23, v21;
	v1 =	vsel vm12, v10, v1;
	v10 =	vld [tilespmem:$0x1B0]  }
0x9e: {  	v13 =	vld [tilespmem:$0x2B0];
	v23 =	vsel vm13, v34, v24;
	v24 =	vsel vm13, v37, v25;
	vm13 =	vgt.f32 v11, v1  }
0x9f: {  	v59 =	vld [tilespmem:$0x1FFC0];
	v1 =	vsel vm13, v11, v1  }
0xa0: {  	v17 =	vsel vm9, v17, v21;
	v11 =	vld [tilespmem:$0x1F0];
	vm14 =	vgt.f32 v7, v1  }
0xa1: {  	v17 =	vsel vm0, v38, v17;
	v61 =	vld [tilespmem:$0x1FFE0];
	v3 =	vsel vm11, v60, v3;
	v1 =	vsel vm14, v7, v1  }
0xa2: {  	v5 =	vsel vm15, v26, v5;
	v3 =	vsel vm12, v63, v3;
	v7 =	vld [tilespmem:$0x4B0];
	vm15 =	vgt.f32 v10, v1  }
0xa3: {  	(erf) = vrcp.f32 v17;
	v3 =	vsel vm13, v32, v3;
	v1 =	vsel vm15, v10, v1;
	v10 =	vld [tilespmem:$0x4F0]  }
0xa4: {  	v14 =	vsel vm1, v46, v45;
	(erf) = vrcp.f32 v6;
	v6 =	vld [tilespmem:$0x530];
	v3 =	vsel vm14, v36, v3  }
0xa5: {  	v15 =	vsel vm1, v48, v47;
	v63 =	vld [tilespmem:$0x1FFF0];
	v3 =	vsel vm15, v41, v3;
	vm0 =	vgt.f32 v11, v1  }
0xa6: {  	v14 =	vsel vm4, v50, v14;
	v9 =	vsel vm10, v40, v9;
	v1 =	vld [tilespmem:$0x1FF10];
	v3 =	vsel vm0, v43, v3  }
0xa7: {  	v2 =	vsel vm10, v4, v2;
	v4 =	vpop (erf);
	v11 =	vld [tilespmem:$0x1FF20];
	(erf) = vrcp.f32 v3;
	v7 =	vsel vm11, v7, v9  }
0xa8: {  	v13 =	vsel vm11, v13, v2;
	v2 =	vmul.f32 v4, v5;
	v4 =	vsel vm12, v10, v7;
	v10 =	vld [tilespmem:$0x1FFD0]  }
0xa9: {  	v15 =	vsel vm4, v54, v15;
	v14 =	vsel vm6, v55, v14;
	v60 =	vld [tilespmem:$0x5B0]  }
0xaa: {  	v14 =	vsel vm7, v19, v14;
	v15 =	vsel vm6, v59, v15;
	v3 =	vld [tilespmem:$0x370]  }
0xab: {  	v15 =	vsel vm7, v18, v15;
	v9 =	vld [tilespmem:$0x5F0];
	v7 =	vsel vm12, v44, v13;
	v1 =	vsel vm8, v1, v23  }
0xac: {  	v5 =	vld [tilespmem:$0x3F0];
	vm12 =	vnez.u8 v61;
	v13 =	vsel vm2, v63, v15;
	v1 =	vsel vm9, v49, v1  }
0xad: {  	v11 =	vsel vm8, v11, v24;
	v4 =	vsel vm13, v6, v4;
	v1 =	vsel vm12, v10, v1;
	v10 =	vld [tilespmem:$0x5E0]  }
0xae: {  	s16 =	sadd.s32 $0x0, s9;
	v53 =	vld [tilespmem:$0x1FF90];
	v62 =	vpop (erf);
	v6 =	vsel vm2, v51, v14;
	v7 =	vsel vm13, v8, v7;
	v4 =	vsel vm14, v52, v4  }
0xaf: {  	s17 =	sadd.s32 $0x1, s16;
	v8 =	vpop (erf);
	v13 =	vsel vm3, v57, v13;
	v3 =	vsel vm14, v3, v7;
	v4 =	vsel vm15, v60, v4;
	v7 =	vld [tilespmem:$0x5D0]  }
0xb0: {  	vm13 =	veq.s32 v0, s17;
	v3 =	vsel vm15, v58, v3;
	v4 =	vsel vm0, v9, v4;
	v9 =	vpop (erf)  }
0xb1: {  	v6 =	vsel vm3, v56, v6;
	v3 =	vsel vm0, v5, v3;
	v4 =	vmul.f32 v9, v4  }
0xb2: {  	v5 =	vsel vm5, v20, v6;
	vm0 =	veq.s32 v3, s16;
	v6 =	vsel vm5, v10, v13  }
0xb3: {  	s18 =	simm.s32 $0x880;
	v11 =	vsel vm9, v53, v11;
	v6 =	vmul.f32 v8, v6;
	v8 =	vnsel vm0, $0x0, v4  }
0xb4: {  	vm14 =	veq.s32 v5, s16;
	v7 =	vsel vm12, v7, v11;
	[tilespmem:s18+$0xFFFFFFB0] =	vst v8;
	v8 =	vnsel vm13, $0x0, v2  }
0xb5: {  	vm15 =	veq.s32 v0, s16;
	v7 =	vmul.f32 v62, v7;
	v9 =	vnsel vm14, $0x0, v6;
	[tilespmem:s18+$0xFFFFFFC0] =	vst v8  }
0xb6: {  	vm4 =	veq.s32 v1, s16;
	v8 =	vnsel vm15, $0x0, v2;
	[tilespmem:s18+$0xFFFFFFA0] =	vst v9  }
0xb7: {  	s19 =	simm.s32 $0x40;
	vm5 =	veq.s32 v1, s17;
	v9 =	vnsel vm4, $0x0, v7;
	[tilespmem:s18+$0xFFFFFF80] =	vst v8  }
0xb8: {  	s20 =	sor.u32 $0x50, s19;
	vm6 =	veq.s32 v5, s17;
	v8 =	vnsel vm5, $0x0, v7;
	[tilespmem:s18+$0xFFFFFF90] =	vst v9  }
0xb9: {  	s21 =	sadd.s32 $0x3, s16;
	s29 =	sor.u32 $0x60, s19;
	vm7 =	veq.s32 v3, s17;
	[tilespmem:s20+$0x800] =	vst v8;
	v8 =	vnsel vm6, $0x0, v6  }
0xba: {  	s30 =	sor.u32 $0x70, s19;
	vm8 =	veq.s32 v0, s21;
	s16 =	sadd.s32 $0x2, s16;
	[tilespmem:s29+$0x800] =	vst v8;
	v8 =	vnsel vm7, $0x0, v4  }
0xbb: {  	vm9 =	veq.s32 v3, s16;
	[tilespmem:s30+$0x800] =	vst v8;
	v8 =	vnsel vm8, $0x0, v2  }
0xbc: {  	vm12 =	veq.s32 v5, s16;
	v9 =	vnsel vm9, $0x0, v4;
	[tilespmem:s18+$0x40] =	vst v8  }
0xbd: {  	vm10 =	veq.s32 v1, s16;
	v11 =	vnsel vm12, $0x0, v6;
	[tilespmem:s18+$0x30] =	vst v9  }
0xbe: {  	s31 =	simm.s32 $0xC0;
	vm11 =	veq.s32 v0, s16;
	vm13 =	veq.s32 v1, s21;
	v8 =	vnsel vm10, $0x0, v7;
	[tilespmem:s18+$0x20] =	vst v11  }
0xbf: {  	s22 =	sor.u32 $0x50, s31;
	s16 =	sor.u32 $0x70, s31;
	s17 =	simm.s32 $0x1C0;
	vm14 =	veq.s32 v5, s21;
	vm15 =	veq.s32 v3, s21;
	v9 =	vnsel vm11, $0x0, v2;
	[tilespmem:s18+$0x10] =	vst v8  }
0xc0: {  	v10 =	vnsel vm13, $0x0, v7;
	s21 =	sor.u32 $0x60, s31;
	s20 =	simm.s32 $0x4;
	[tilespmem:s18+$0x0] =	vst v9;
	v8 =	vnsel vm15, $0x0, v4;
	v9 =	vnsel vm14, $0x0, v6;
	s18 =	simm.s32 $0x980  }
.LBB2_2:
0xc1: {  	s19 =	smov.u32 s20  }
0xc2: {  	s23 =	sadd.s32 s20, s9;
	s24 =	sor.u32 $0x70, s17;
	[tilespmem:s22+$0x800] =	vst v10;
	s19 =	sadd.s32 $0x4, s20  }
0xc3: {  	vm0 =	veq.s32 v0, s23;
	vm1 =	veq.s32 v5, s23;
	vm2 =	veq.s32 v3, s23;
	s22 =	sadd.s32 $0x1, s23;
	s25 =	sadd.s32 $0x2, s23;
	s26 =	sadd.s32 $0x3, s23;
	[tilespmem:s21+$0x800] =	vst v9  }
0xc4: {  	p0 =	sne.s32 s20, $0x1FC;
	v9 =	vnsel vm1, $0x0, v6;
	v10 =	vnsel vm2, $0x0, v4;
	vm1 =	veq.s32 v0, s22;
	[tilespmem:s16+$0x800] =	vst v8;
	s16 =	smov.u32 s24  }
0xc5: {  	v8 =	vnsel vm0, $0x0, v2;
	vm0 =	veq.s32 v1, s23;
	[tilespmem:s18+$0xFFFFFFB0] =	vst v10;
	v10 =	vnsel vm1, $0x0, v2  }
0xc6: {  	v11 =	vnsel vm0, $0x0, v7;
	vm0 =	veq.s32 v1, s22;
	vm1 =	veq.s32 v5, s22;
	[tilespmem:s18+$0xFFFFFFC0] =	vst v10  }
0xc7: {  	vm2 =	veq.s32 v3, s22;
	vm3 =	veq.s32 v3, s25;
	vm4 =	veq.s32 v0, s26;
	[tilespmem:s18+$0xFFFFFFA0] =	vst v9  }
0xc8: {  	s20 =	sadd.s32 $0xFFFFFF80, s17;
	vm5 =	veq.s32 v0, s25;
	vm6 =	veq.s32 v1, s25;
	vm7 =	veq.s32 v5, s25;
	[tilespmem:s18+$0xFFFFFF80] =	vst v8  }
0xc9: {  	s21 =	sor.u32 $0x50, s20;
	vm8 =	veq.s32 v5, s26;
	v8 =	vnsel vm0, $0x0, v7;
	vm0 =	veq.s32 v1, s26;
	[tilespmem:s18+$0xFFFFFF90] =	vst v11  }
0xca: {  	[tilespmem:s21+$0x800] =	vst v8;
	v8 =	vnsel vm1, $0x0, v6;
	s21 =	sor.u32 $0x60, s20;
	vm1 =	veq.s32 v3, s26  }
0xcb: {  	v9 =	vnsel vm2, $0x0, v4;
	s20 =	sor.u32 $0x70, s20;
	[tilespmem:s21+$0x800] =	vst v8;
	v8 =	vnsel vm1, $0x0, v4  }
0xcc: {  	[tilespmem:s20+$0x800] =	vst v9;
	v9 =	vnsel vm4, $0x0, v2  }
.Ltmp0:
0xcd: {  	v10 =	vnsel vm3, $0x0, v4;
	[tilespmem:s18+$0x40] =	vst v9;
	(pc) =	sbr.rel @p0 .LBB2_2-.Ltmp0, $4  }
0xce: {  	v9 =	vnsel vm6, $0x0, v7;
	[tilespmem:s18+$0x30] =	vst v10  }
0xcf: {  	v10 =	vnsel vm5, $0x0, v2;
	[tilespmem:s18+$0x10] =	vst v9;
	v9 =	vnsel vm7, $0x0, v6  }
0xd0: {  	s22 =	sor.u32 $0x50, s17;
	s21 =	sor.u32 $0x60, s17;
	[tilespmem:s18+$0x0] =	vst v10;
	v10 =	vnsel vm0, $0x0, v7  }
0xd1: {  	s17 =	sadd.s32 $0x100, s17;
	s20 =	smov.u32 s19;
	[tilespmem:s18+$0x20] =	vst v9;
	v9 =	vnsel vm8, $0x0, v6;
	s18 =	sadd.s32 $0x100, s18  }
0xd2: {  	[tilespmem:s22+$0x800] =	vst v10;
	s15 =	sadd.s32 $0x1, s15  }
0xd3: {  	[tilespmem:s21+$0x800] =	vst v9;
	p0 =	sne.s32 s15, s8  }
.Ltmp1:
0xd4: {  	[tilespmem:s16+$0x800] =	vst v8;
	(pc) =	sbr.rel @p0 .LBB2_1-.Ltmp1, $4  }
0xd5: {  	[hbm4b:s7+s2] =	stream.linear.scatter [tilespmem:s14], [sflag:$0x1], $0x8000, $0x38;
	[tilespmem:$0x8800] =	vst v63  }
0xd6: {  	_ =	swait.ge [sflag:s10], $0x8000  }
0xd7: {  	[sflag:s10] =	ssyncset.done $0x0  }
0xd8: {  	[sflag:s10] =	ssyncadd.s32 $0xFFFF8000  }
0xd9: {  	_ =	sfence.sel $0x180000  }
0xda: {  	[bflag:$0x0] =	sbarrier.arrive $0xFFFF  }
0xdb: {  	p0 =	sne.s32 s3, $0x0;
	_ =	strace $0x90000047  }
0xdc: {  	s0 =	sadd.s32 @!p0 $0x100000, s0;
	[bflag:$0x2] =	sbarrier.arrive $0xFFFF  }
0xdd: {  	[sflag:s0] =	ssyncadd.tile.s32 @!p0 $0x1;
	_ =	shalt  }
.Lfunc_end2:
_tile_overlayer_lowered:
.L_overlay_start_2:
0xde: {  	(tag) =	ssettag $0x2  }
0xdf: {  	s0 =	rddreg [dreg:$0x0];
	s2 =	stileid.u32  }
0xe0: {  	s1 =	rddreg [dreg:$0x1];
	p0 =	sne.s32 s2, $0x0  }
0xe1: {  	s3 =	rddreg [dreg:$0x2];
	[bflag:$0x3] =	sbarrier.arrive $0xFFFF;
	s2 =	simm.s32 @!p0 $0x1C01  }
0xe2: {  	[timem:s3], [sflag:s2] =	dma.local @!p0 [hbm:s0], s1  }
0xe3: {  	s0 =	simm.s32 @!p0 $0x1  }
0xe4: {  	_ =	swait.ge @!p0 [sflag:s0], s1  }
0xe5: {  	s1 =	ssub.s32 @!p0 $0x0, s1;
	[sflag:s0] =	ssyncset.done @!p0 $0x0  }
0xe6: {  	[sflag:s0] =	ssyncadd.s32 @!p0 s1  }
0xe7: {  	[bflag:$0x3] =	sbarrier.arrive $0xFFFF  }
0xe8: {  	_ =	shalt  }

</sc_bundles>
